<compile_context>
chip_gen: v7x
topology: tpu7x:2x2x1
jax: 0.10.2.dev20260603
libtpu: 0.0.44.dev20260713+nightly
codegen_flags: <defaults>
</compile_context>

<pallas_src>
import functools

import jax
import jax.numpy as jnp
from jax import lax
from jax.experimental import pallas as pl
from jax.experimental.pallas import tpu as pltpu
from jax.experimental.pallas import tpu_sc as plsc

N = 10000
E = 320000
D = 128

NC, NS = 2, 16
NW = NC * NS
CH = 128
NPAD = 10240
EPAD = 327680
GP = EPAD // NW // CH
QH = GP // 2
RPT = NPAD // NS

_MESH = dict(core_axis_name="c", subcore_axis_name="s")


def _deg_body(src_hbm, dst_hbm, out_hbm, degs, degd, srcidx, dstidx,
              ones_v, stage, sem):
    c = lax.axis_index("c")
    s = lax.axis_index("s")
    w = c * NS + s

    zv = jnp.zeros((16,), jnp.float32)
    ov = jnp.ones((16,), jnp.float32)
    for j in range(CH // 16):
        ones_v[pl.ds(j * 16, 16)] = ov
    for j in range(RPT // 16):
        stage[0, pl.ds(j * 16, 16)] = zv
        stage[1, pl.ds(j * 16, 16)] = zv
    pltpu.sync_copy(stage.at[0], degs.at[pl.ds(s * RPT, RPT)])
    pltpu.sync_copy(stage.at[1], degd.at[pl.ds(s * RPT, RPT)])
    plsc.subcore_barrier()

    pltpu.sync_copy(src_hbm.at[pl.ds(w * GP, GP)], srcidx)
    pltpu.sync_copy(dst_hbm.at[pl.ds(w * GP, GP)], dstidx)

    def body(i, carry):
        g = i * 2
        d1 = pltpu.async_copy(ones_v, degs.at[srcidx.at[g]], sem, add=True)
        d2 = pltpu.async_copy(ones_v, degd.at[dstidx.at[g]], sem, add=True)
        d3 = pltpu.async_copy(ones_v, degs.at[srcidx.at[g + 1]], sem, add=True)
        d4 = pltpu.async_copy(ones_v, degd.at[dstidx.at[g + 1]], sem, add=True)
        d1.wait()
        d2.wait()
        d3.wait()
        d4.wait()
        return carry

    lax.fori_loop(0, GP // 2, body, 0)
    plsc.subcore_barrier()

    pltpu.sync_copy(degs.at[pl.ds(s * RPT, RPT)], stage.at[0])
    pltpu.sync_copy(degd.at[pl.ds(s * RPT, RPT)], stage.at[1])
    pltpu.sync_copy(stage, out_hbm.at[w])


@functools.partial(jax.jit, static_argnames=())
def _deg_call(srcp, dstp):
    k = pl.kernel(
        _deg_body,
        out_type=jax.ShapeDtypeStruct((NW, 2, RPT), jnp.float32),
        mesh=plsc.VectorSubcoreMesh(**_MESH),
        scratch_types=[
            pltpu.VMEM_SHARED((NPAD,), jnp.float32),
            pltpu.VMEM_SHARED((NPAD,), jnp.float32),
            pltpu.VMEM((GP, CH), jnp.int32),
            pltpu.VMEM((GP, CH), jnp.int32),
            pltpu.VMEM((CH,), jnp.float32),
            pltpu.VMEM((2, RPT), jnp.float32),
            pltpu.SemaphoreType.DMA,
        ],
    )
    return k(srcp, dstp)


def _prop_body(z_hbm, src_hbm, dst_hbm, out_hbm, accum, srcidx, dstidx,
               rows_a, rows_b, sem_a, sem_b):
    c = lax.axis_index("c")
    s = lax.axis_index("s")
    w = c * NS + s

    zv = jnp.zeros((16,), jnp.float32)

    def zrow(i, carry):
        for j in range(D // 16):
            rows_a[i, pl.ds(j * 16, 16)] = zv
        return carry

    lax.fori_loop(0, CH, zrow, 0)
    for j in range(RPT // CH):
        pltpu.sync_copy(rows_a, accum.at[pl.ds(s * RPT + j * CH, CH)])
    plsc.subcore_barrier()

    def gstart(g, buf, sem):
        pltpu.async_copy(z_hbm.at[srcidx.at[g]], buf, sem)

    def gwait(g, buf, sem):
        pltpu.make_async_copy(z_hbm.at[srcidx.at[g]], buf, sem).wait()

    for q in range(GP // QH):
        pltpu.sync_copy(src_hbm.at[pl.ds(w * GP + q * QH, QH)], srcidx)
        pltpu.sync_copy(dst_hbm.at[pl.ds(w * GP + q * QH, QH)], dstidx)
        gstart(0, rows_a, sem_a)

        def body(i, carry):
            g = i * 2
            gstart(g + 1, rows_b, sem_b)
            gwait(g, rows_a, sem_a)
            pltpu.sync_copy(rows_a, accum.at[dstidx.at[g]], add=True)

            @pl.when(g + 2 < QH)
            def _():
                gstart(g + 2, rows_a, sem_a)

            gwait(g + 1, rows_b, sem_b)
            pltpu.sync_copy(rows_b, accum.at[dstidx.at[g + 1]], add=True)
            return carry

        lax.fori_loop(0, QH // 2, body, 0)
    plsc.subcore_barrier()

    pltpu.sync_copy(accum.at[pl.ds(s * RPT, RPT)], out_hbm.at[w])


@jax.jit
def _prop_call(z, srcp, dstp):
    k = pl.kernel(
        _prop_body,
        out_type=jax.ShapeDtypeStruct((NW, RPT, D), jnp.float32),
        mesh=plsc.VectorSubcoreMesh(**_MESH),
        scratch_types=[
            pltpu.VMEM_SHARED((NPAD, D), jnp.float32),
            pltpu.VMEM((QH, CH), jnp.int32),
            pltpu.VMEM((QH, CH), jnp.int32),
            pltpu.VMEM((CH, D), jnp.float32),
            pltpu.VMEM((CH, D), jnp.float32),
            pltpu.SemaphoreType.DMA,
            pltpu.SemaphoreType.DMA,
        ],
    )
    return k(z, srcp, dstp)


R = 512
NBLK = NPAD // R


def _mm1_body(x_ref, w_ref, deg_ref, z_ref):
    d = deg_ref[...]
    ns = lax.rsqrt(jnp.maximum(d[0, 0] + d[1, 0], 1.0))
    acc = jnp.dot(x_ref[...], w_ref[...], preferred_element_type=jnp.float32)
    z_ref[...] = acc * ns[:, None]


def _mid_body(p_ref, deg_ref, w_ref, b_ref, z_ref):
    d = deg_ref[...]
    ns = lax.rsqrt(jnp.maximum(d[0, 0] + d[1, 0], 1.0))
    nd = lax.rsqrt(jnp.maximum(d[0, 1] + d[1, 1], 1.0))
    p = p_ref[0] + p_ref[1]
    u = jnp.maximum(p * nd[:, None] + b_ref[...], 0.0)
    z_ref[...] = jnp.dot(u, w_ref[...], preferred_element_type=jnp.float32) * ns[:, None]


def _post_body(p_ref, deg_ref, b_ref, o_ref):
    d = deg_ref[...]
    nd = lax.rsqrt(jnp.maximum(d[0, 1] + d[1, 1], 1.0))
    o_ref[...] = (p_ref[0] + p_ref[1]) * nd[:, None] + b_ref[...]


_DEG_SPEC = pl.BlockSpec((2, 2, R), lambda i: (0, 0, i))


@jax.jit
def _mm1_call(x, W1, degp):
    return pl.pallas_call(
        _mm1_body,
        grid=(NBLK,),
        in_specs=[
            pl.BlockSpec((R, D), lambda i: (i, 0)),
            pl.BlockSpec((D, D), lambda i: (0, 0)),
            _DEG_SPEC,
        ],
        out_specs=pl.BlockSpec((R, D), lambda i: (i, 0)),
        out_shape=jax.ShapeDtypeStruct((NPAD, D), jnp.float32),
    )(x, W1, degp)


@jax.jit
def _mid_call(p1, degp, W2, b1):
    return pl.pallas_call(
        _mid_body,
        grid=(NBLK,),
        in_specs=[
            pl.BlockSpec((2, R, D), lambda i: (0, i, 0)),
            _DEG_SPEC,
            pl.BlockSpec((D, D), lambda i: (0, 0)),
            pl.BlockSpec((1, D), lambda i: (0, 0)),
        ],
        out_specs=pl.BlockSpec((R, D), lambda i: (i, 0)),
        out_shape=jax.ShapeDtypeStruct((NPAD, D), jnp.float32),
    )(p1, degp, W2, b1)


@jax.jit
def _post_call(p2, degp, b2):
    return pl.pallas_call(
        _post_body,
        grid=(NBLK,),
        in_specs=[
            pl.BlockSpec((2, R, D), lambda i: (0, i, 0)),
            _DEG_SPEC,
            pl.BlockSpec((1, D), lambda i: (0, 0)),
        ],
        out_specs=pl.BlockSpec((R, D), lambda i: (i, 0)),
        out_shape=jax.ShapeDtypeStruct((NPAD, D), jnp.float32),
    )(p2, degp, b2)


def kernel(h, edge_index, W1, b1, W2, b2):
    x = jnp.transpose(h)
    x = jnp.pad(x, ((0, NPAD - N), (0, 0)))
    src = edge_index[0]
    dst = edge_index[1]
    fill = (jnp.arange(EPAD - E, dtype=jnp.int32) % (NPAD - N)) + N
    srcp = jnp.concatenate([src, fill]).reshape(EPAD // CH, CH)
    dstp = jnp.concatenate([dst, fill]).reshape(EPAD // CH, CH)

    dk = _deg_call(srcp, dstp)
    degp = dk.reshape(NC, NS, 2, RPT).transpose(0, 2, 1, 3).reshape(NC, 2, NPAD)

    z1 = _mm1_call(x, W1, degp)
    p1 = _prop_call(z1, srcp, dstp).reshape(NC, NPAD, D)
    z2 = _mid_call(p1, degp, W2, b1.reshape(1, D))
    p2 = _prop_call(z2, srcp, dstp).reshape(NC, NPAD, D)
    o = _post_call(p2, degp, b2.reshape(1, D))
    return jnp.transpose(o[:N])

# --- scband reference (transcript-rebuilt; emitter-appended) ---
"""Pipeline reference for scband-gcnn-31250182045888 (READ-ONLY COPY).

The authoritative reference and input builder live on the scoring server;
editing this copy changes nothing except your own understanding.
"""

import jax, jax.numpy as jnp
import numpy as np

N = 10000
E = 320000
D_IN = 128
D_HID = 128
D_OUT = 128


def setup_inputs(seed: int = 0) -> dict:
    key = jax.random.key(seed)
    k1, k2, k3, k4 = jax.random.split(key, 4)
    h = jax.random.normal(k1, (D_IN, N), dtype=jnp.float32)
    edge_index = jax.random.randint(k2, (2, E), 0, N, dtype=jnp.int32)
    W1 = jax.random.normal(k3, (D_IN, D_HID), dtype=jnp.float32) * (1.0 / np.sqrt(D_IN))
    b1 = jnp.zeros((D_HID,), dtype=jnp.float32)
    W2 = jax.random.normal(k4, (D_HID, D_OUT), dtype=jnp.float32) * (1.0 / np.sqrt(D_HID))
    b2 = jnp.zeros((D_OUT,), dtype=jnp.float32)
    return {"h": h, "edge_index": edge_index, "W1": W1, "b1": b1, "W2": W2, "b2": b2}


def _gcn_layer(x, edge_index, W, b):
    # DGL GraphConv with norm='both':
    # feat_src = feat * out_degree^{-1/2}; aggregate sum over edges src->dst;
    # rst = agg * in_degree^{-1/2}; rst = rst @ W + b
    src = edge_index[0]
    dst = edge_index[1]
    n = x.shape[0]
    ones = jnp.ones((src.shape[0],), dtype=x.dtype)
    deg_out = jnp.zeros((n,), dtype=x.dtype).at[src].add(ones)
    deg_in = jnp.zeros((n,), dtype=x.dtype).at[dst].add(ones)
    norm_src = jnp.power(jnp.maximum(deg_out, 1.0), -0.5)
    norm_dst = jnp.power(jnp.maximum(deg_in, 1.0), -0.5)
    xs = x * norm_src[:, None]
    msgs = jnp.take(xs, src, axis=0)
    agg = jnp.zeros((n, x.shape[1]), dtype=x.dtype).at[dst].add(msgs)
    agg = agg * norm_dst[:, None]
    return agg @ W + b


def reference(h, edge_index, W1, b1, W2, b2):
    # forward: h is [in_dim, N]; transpose to [N, in_dim]
    x = jnp.transpose(h, (1, 0))
    x = jax.nn.relu(_gcn_layer(x, edge_index, W1, b1))
    # dropout p=0 -> identity
    out = _gcn_layer(x, edge_index, W2, b2)
    # last_act is None -> identity; transpose back to [out_dim, N]
    return jnp.transpose(out, (1, 0))

if __name__ == "__main__":
    import jax
    _d = setup_inputs()
    print(jax.jit(kernel)(*tuple(_d.values())))

</pallas_src>

<mosaic_0001>
#map = affine_map<(d0, d1) -> (0, 0)>
#map1 = affine_map<(d0, d1) -> (0, 0, 0)>
module attributes {stable_mosaic.version = 14 : i64} {
  func.func @_deg_body(%arg0: i32, %arg1: i32, %arg2: memref<2560x128xi32, #tpu.memory_space<hbm>>, %arg3: memref<2560x128xi32, #tpu.memory_space<hbm>>, %arg4: memref<32x2x640xf32, #tpu.memory_space<hbm>>, %arg5: memref<10240xf32, #tpu.memory_space<vmem_shared>>, %arg6: memref<10240xf32, #tpu.memory_space<vmem_shared>>, %arg7: memref<80x128xi32, #tpu.memory_space<vmem>>, %arg8: memref<80x128xi32, #tpu.memory_space<vmem>>, %arg9: memref<128xf32, #tpu.memory_space<vmem>>, %arg10: memref<2x640xf32, #tpu.memory_space<vmem>>, %arg11: memref<!tpu.dma_semaphore, #tpu.memory_space<semaphore_mem>>) attributes {dimension_semantics = [#tpu.dimension_semantics<core_parallel>, #tpu.dimension_semantics<subcore_parallel>], iteration_bounds = array<i64: 2, 16>, scalar_prefetch = 0 : i64, scratch_operands = 7 : i64, tpu.core_type = #tpu.core_type<sc_vector_subcore>, window_params = [{transform_indices = #map}, {transform_indices = #map}, {transform_indices = #map1}]} {
    %mul3A = arith.constant 16 : i32
    %mul3A_0 = arith.muli %arg0, %mul3A : i32
    %add3A = arith.addi %mul3A_0, %arg1 : i32
    %broadcast_in_dim3A = arith.constant 0.000000e+00 : f32
    %broadcast_in_dim3A_1 = vector.broadcast %broadcast_in_dim3A : f32 to vector<16xf32>
    %broadcast_in_dim3A_2 = arith.constant 1.000000e+00 : f32
    %broadcast_in_dim3A_3 = vector.broadcast %broadcast_in_dim3A_2 : f32 to vector<16xf32>
    %swap3A = arith.constant 0 : index
    %swap3A_4 = tpu.vector_load %arg9[%swap3A] {strides = array<i32>} : memref<128xf32, #tpu.memory_space<vmem>>, vector<16xf32>,
    %swap3A_5 = vector.shape_cast %swap3A_4 : vector<16xf32> to vector<16xf32>
    %swap3A_6 = vector.shape_cast %broadcast_in_dim3A_3 : vector<16xf32> to vector<16xf32>
    tpu.vector_store %arg9[%swap3A], %swap3A_6 {strides = array<i32>} : memref<128xf32, #tpu.memory_space<vmem>>, vector<16xf32>,
    %swap3A_7 = arith.constant 16 : index
    %swap3A_8 = tpu.vector_load %arg9[%swap3A_7] {strides = array<i32>} : memref<128xf32, #tpu.memory_space<vmem>>, vector<16xf32>,
    %swap3A_9 = vector.shape_cast %swap3A_8 : vector<16xf32> to vector<16xf32>
    %swap3A_10 = vector.shape_cast %broadcast_in_dim3A_3 : vector<16xf32> to vector<16xf32>
    tpu.vector_store %arg9[%swap3A_7], %swap3A_10 {strides = array<i32>} : memref<128xf32, #tpu.memory_space<vmem>>, vector<16xf32>,
    %swap3A_11 = arith.constant 32 : index
    %swap3A_12 = tpu.vector_load %arg9[%swap3A_11] {strides = array<i32>} : memref<128xf32, #tpu.memory_space<vmem>>, vector<16xf32>,
    %swap3A_13 = vector.shape_cast %swap3A_12 : vector<16xf32> to vector<16xf32>
    %swap3A_14 = vector.shape_cast %broadcast_in_dim3A_3 : vector<16xf32> to vector<16xf32>
    tpu.vector_store %arg9[%swap3A_11], %swap3A_14 {strides = array<i32>} : memref<128xf32, #tpu.memory_space<vmem>>, vector<16xf32>,
    %swap3A_15 = arith.constant 48 : index
    %swap3A_16 = tpu.vector_load %arg9[%swap3A_15] {strides = array<i32>} : memref<128xf32, #tpu.memory_space<vmem>>, vector<16xf32>,
    %swap3A_17 = vector.shape_cast %swap3A_16 : vector<16xf32> to vector<16xf32>
    %swap3A_18 = vector.shape_cast %broadcast_in_dim3A_3 : vector<16xf32> to vector<16xf32>
    tpu.vector_store %arg9[%swap3A_15], %swap3A_18 {strides = array<i32>} : memref<128xf32, #tpu.memory_space<vmem>>, vector<16xf32>,
    %swap3A_19 = arith.constant 64 : index
    %swap3A_20 = tpu.vector_load %arg9[%swap3A_19] {strides = array<i32>} : memref<128xf32, #tpu.memory_space<vmem>>, vector<16xf32>,
    %swap3A_21 = vector.shape_cast %swap3A_20 : vector<16xf32> to vector<16xf32>
    %swap3A_22 = vector.shape_cast %broadcast_in_dim3A_3 : vector<16xf32> to vector<16xf32>
    tpu.vector_store %arg9[%swap3A_19], %swap3A_22 {strides = array<i32>} : memref<128xf32, #tpu.memory_space<vmem>>, vector<16xf32>,
    %swap3A_23 = arith.constant 80 : index
    %swap3A_24 = tpu.vector_load %arg9[%swap3A_23] {strides = array<i32>} : memref<128xf32, #tpu.memory_space<vmem>>, vector<16xf32>,
    %swap3A_25 = vector.shape_cast %swap3A_24 : vector<16xf32> to vector<16xf32>
    %swap3A_26 = vector.shape_cast %broadcast_in_dim3A_3 : vector<16xf32> to vector<16xf32>
    tpu.vector_store %arg9[%swap3A_23], %swap3A_26 {strides = array<i32>} : memref<128xf32, #tpu.memory_space<vmem>>, vector<16xf32>,
    %swap3A_27 = arith.constant 96 : index
    %swap3A_28 = tpu.vector_load %arg9[%swap3A_27] {strides = array<i32>} : memref<128xf32, #tpu.memory_space<vmem>>, vector<16xf32>,
    %swap3A_29 = vector.shape_cast %swap3A_28 : vector<16xf32> to vector<16xf32>
    %swap3A_30 = vector.shape_cast %broadcast_in_dim3A_3 : vector<16xf32> to vector<16xf32>
    tpu.vector_store %arg9[%swap3A_27], %swap3A_30 {strides = array<i32>} : memref<128xf32, #tpu.memory_space<vmem>>, vector<16xf32>,
    %swap3A_31 = arith.constant 112 : index
    %swap3A_32 = tpu.vector_load %arg9[%swap3A_31] {strides = array<i32>} : memref<128xf32, #tpu.memory_space<vmem>>, vector<16xf32>,
    %swap3A_33 = vector.shape_cast %swap3A_32 : vector<16xf32> to vector<16xf32>
    %swap3A_34 = vector.shape_cast %broadcast_in_dim3A_3 : vector<16xf32> to vector<16xf32>
    tpu.vector_store %arg9[%swap3A_31], %swap3A_34 {strides = array<i32>} : memref<128xf32, #tpu.memory_space<vmem>>, vector<16xf32>,
    %swap3A_35 = arith.constant 0 : i32
    %swap3A_36 = arith.index_cast %swap3A_35 : i32 to index
    %swap3A_37 = arith.constant 0 : index
    %swap3A_38 = tpu.vector_load %arg10[%swap3A_36, %swap3A_37] {strides = array<i32>} : memref<2x640xf32, #tpu.memory_space<vmem>>, vector<1x16xf32>,
    %swap3A_39 = vector.shape_cast %swap3A_38 : vector<1x16xf32> to vector<16xf32>
    %swap3A_40 = vector.shape_cast %broadcast_in_dim3A_1 : vector<16xf32> to vector<1x16xf32>
    tpu.vector_store %arg10[%swap3A_36, %swap3A_37], %swap3A_40 {strides = array<i32>} : memref<2x640xf32, #tpu.memory_space<vmem>>, vector<1x16xf32>,
    %swap3A_41 = arith.constant 1 : i32
    %swap3A_42 = arith.index_cast %swap3A_41 : i32 to index
    %swap3A_43 = arith.constant 0 : index
    %swap3A_44 = tpu.vector_load %arg10[%swap3A_42, %swap3A_43] {strides = array<i32>} : memref<2x640xf32, #tpu.memory_space<vmem>>, vector<1x16xf32>,
    %swap3A_45 = vector.shape_cast %swap3A_44 : vector<1x16xf32> to vector<16xf32>
    %swap3A_46 = vector.shape_cast %broadcast_in_dim3A_1 : vector<16xf32> to vector<1x16xf32>
    tpu.vector_store %arg10[%swap3A_42, %swap3A_43], %swap3A_46 {strides = array<i32>} : memref<2x640xf32, #tpu.memory_space<vmem>>, vector<1x16xf32>,
    %swap3A_47 = arith.constant 0 : i32
    %swap3A_48 = arith.index_cast %swap3A_47 : i32 to index
    %swap3A_49 = arith.constant 16 : index
    %swap3A_50 = tpu.vector_load %arg10[%swap3A_48, %swap3A_49] {strides = array<i32>} : memref<2x640xf32, #tpu.memory_space<vmem>>, vector<1x16xf32>,
    %swap3A_51 = vector.shape_cast %swap3A_50 : vector<1x16xf32> to vector<16xf32>
    %swap3A_52 = vector.shape_cast %broadcast_in_dim3A_1 : vector<16xf32> to vector<1x16xf32>
    tpu.vector_store %arg10[%swap3A_48, %swap3A_49], %swap3A_52 {strides = array<i32>} : memref<2x640xf32, #tpu.memory_space<vmem>>, vector<1x16xf32>,
    %swap3A_53 = arith.constant 1 : i32
    %swap3A_54 = arith.index_cast %swap3A_53 : i32 to index
    %swap3A_55 = arith.constant 16 : index
    %swap3A_56 = tpu.vector_load %arg10[%swap3A_54, %swap3A_55] {strides = array<i32>} : memref<2x640xf32, #tpu.memory_space<vmem>>, vector<1x16xf32>,
    %swap3A_57 = vector.shape_cast %swap3A_56 : vector<1x16xf32> to vector<16xf32>
    %swap3A_58 = vector.shape_cast %broadcast_in_dim3A_1 : vector<16xf32> to vector<1x16xf32>
    tpu.vector_store %arg10[%swap3A_54, %swap3A_55], %swap3A_58 {strides = array<i32>} : memref<2x640xf32, #tpu.memory_space<vmem>>, vector<1x16xf32>,
    %swap3A_59 = arith.constant 0 : i32
    %swap3A_60 = arith.index_cast %swap3A_59 : i32 to index
    %swap3A_61 = arith.constant 32 : index
    %swap3A_62 = tpu.vector_load %arg10[%swap3A_60, %swap3A_61] {strides = array<i32>} : memref<2x640xf32, #tpu.memory_space<vmem>>, vector<1x16xf32>,
    %swap3A_63 = vector.shape_cast %swap3A_62 : vector<1x16xf32> to vector<16xf32>
    %swap3A_64 = vector.shape_cast %broadcast_in_dim3A_1 : vector<16xf32> to vector<1x16xf32>
    tpu.vector_store %arg10[%swap3A_60, %swap3A_61], %swap3A_64 {strides = array<i32>} : memref<2x640xf32, #tpu.memory_space<vmem>>, vector<1x16xf32>,
    %swap3A_65 = arith.constant 1 : i32
    %swap3A_66 = arith.index_cast %swap3A_65 : i32 to index
    %swap3A_67 = arith.constant 32 : index
    %swap3A_68 = tpu.vector_load %arg10[%swap3A_66, %swap3A_67] {strides = array<i32>} : memref<2x640xf32, #tpu.memory_space<vmem>>, vector<1x16xf32>,
    %swap3A_69 = vector.shape_cast %swap3A_68 : vector<1x16xf32> to vector<16xf32>
    %swap3A_70 = vector.shape_cast %broadcast_in_dim3A_1 : vector<16xf32> to vector<1x16xf32>
    tpu.vector_store %arg10[%swap3A_66, %swap3A_67], %swap3A_70 {strides = array<i32>} : memref<2x640xf32, #tpu.memory_space<vmem>>, vector<1x16xf32>,
    %swap3A_71 = arith.constant 0 : i32
    %swap3A_72 = arith.index_cast %swap3A_71 : i32 to index
    %swap3A_73 = arith.constant 48 : index
    %swap3A_74 = tpu.vector_load %arg10[%swap3A_72, %swap3A_73] {strides = array<i32>} : memref<2x640xf32, #tpu.memory_space<vmem>>, vector<1x16xf32>,
    %swap3A_75 = vector.shape_cast %swap3A_74 : vector<1x16xf32> to vector<16xf32>
    %swap3A_76 = vector.shape_cast %broadcast_in_dim3A_1 : vector<16xf32> to vector<1x16xf32>
    tpu.vector_store %arg10[%swap3A_72, %swap3A_73], %swap3A_76 {strides = array<i32>} : memref<2x640xf32, #tpu.memory_space<vmem>>, vector<1x16xf32>,
    %swap3A_77 = arith.constant 1 : i32
    %swap3A_78 = arith.index_cast %swap3A_77 : i32 to index
    %swap3A_79 = arith.constant 48 : index
    %swap3A_80 = tpu.vector_load %arg10[%swap3A_78, %swap3A_79] {strides = array<i32>} : memref<2x640xf32, #tpu.memory_space<vmem>>, vector<1x16xf32>,
    %swap3A_81 = vector.shape_cast %swap3A_80 : vector<1x16xf32> to vector<16xf32>
    %swap3A_82 = vector.shape_cast %broadcast_in_dim3A_1 : vector<16xf32> to vector<1x16xf32>
    tpu.vector_store %arg10[%swap3A_78, %swap3A_79], %swap3A_82 {strides = array<i32>} : memref<2x640xf32, #tpu.memory_space<vmem>>, vector<1x16xf32>,
    %swap3A_83 = arith.constant 0 : i32
    %swap3A_84 = arith.index_cast %swap3A_83 : i32 to index
    %swap3A_85 = arith.constant 64 : index
    %swap3A_86 = tpu.vector_load %arg10[%swap3A_84, %swap3A_85] {strides = array<i32>} : memref<2x640xf32, #tpu.memory_space<vmem>>, vector<1x16xf32>,
    %swap3A_87 = vector.shape_cast %swap3A_86 : vector<1x16xf32> to vector<16xf32>
    %swap3A_88 = vector.shape_cast %broadcast_in_dim3A_1 : vector<16xf32> to vector<1x16xf32>
    tpu.vector_store %arg10[%swap3A_84, %swap3A_85], %swap3A_88 {strides = array<i32>} : memref<2x640xf32, #tpu.memory_space<vmem>>, vector<1x16xf32>,
    %swap3A_89 = arith.constant 1 : i32
    %swap3A_90 = arith.index_cast %swap3A_89 : i32 to index
    %swap3A_91 = arith.constant 64 : index
    %swap3A_92 = tpu.vector_load %arg10[%swap3A_90, %swap3A_91] {strides = array<i32>} : memref<2x640xf32, #tpu.memory_space<vmem>>, vector<1x16xf32>,
    %swap3A_93 = vector.shape_cast %swap3A_92 : vector<1x16xf32> to vector<16xf32>
    %swap3A_94 = vector.shape_cast %broadcast_in_dim3A_1 : vector<16xf32> to vector<1x16xf32>
    tpu.vector_store %arg10[%swap3A_90, %swap3A_91], %swap3A_94 {strides = array<i32>} : memref<2x640xf32, #tpu.memory_space<vmem>>, vector<1x16xf32>,
    %swap3A_95 = arith.constant 0 : i32
    %swap3A_96 = arith.index_cast %swap3A_95 : i32 to index
    %swap3A_97 = arith.constant 80 : index
    %swap3A_98 = tpu.vector_load %arg10[%swap3A_96, %swap3A_97] {strides = array<i32>} : memref<2x640xf32, #tpu.memory_space<vmem>>, vector<1x16xf32>,
    %swap3A_99 = vector.shape_cast %swap3A_98 : vector<1x16xf32> to vector<16xf32>
    %swap3A_100 = vector.shape_cast %broadcast_in_dim3A_1 : vector<16xf32> to vector<1x16xf32>
    tpu.vector_store %arg10[%swap3A_96, %swap3A_97], %swap3A_100 {strides = array<i32>} : memref<2x640xf32, #tpu.memory_space<vmem>>, vector<1x16xf32>,
    %swap3A_101 = arith.constant 1 : i32
    %swap3A_102 = arith.index_cast %swap3A_101 : i32 to index
    %swap3A_103 = arith.constant 80 : index
    %swap3A_104 = tpu.vector_load %arg10[%swap3A_102, %swap3A_103] {strides = array<i32>} : memref<2x640xf32, #tpu.memory_space<vmem>>, vector<1x16xf32>,
    %swap3A_105 = vector.shape_cast %swap3A_104 : vector<1x16xf32> to vector<16xf32>
    %swap3A_106 = vector.shape_cast %broadcast_in_dim3A_1 : vector<16xf32> to vector<1x16xf32>
    tpu.vector_store %arg10[%swap3A_102, %swap3A_103], %swap3A_106 {strides = array<i32>} : memref<2x640xf32, #tpu.memory_space<vmem>>, vector<1x16xf32>,
    %swap3A_107 = arith.constant 0 : i32
    %swap3A_108 = arith.index_cast %swap3A_107 : i32 to index
    %swap3A_109 = arith.constant 96 : index
    %swap3A_110 = tpu.vector_load %arg10[%swap3A_108, %swap3A_109] {strides = array<i32>} : memref<2x640xf32, #tpu.memory_space<vmem>>, vector<1x16xf32>,
    %swap3A_111 = vector.shape_cast %swap3A_110 : vector<1x16xf32> to vector<16xf32>
    %swap3A_112 = vector.shape_cast %broadcast_in_dim3A_1 : vector<16xf32> to vector<1x16xf32>
    tpu.vector_store %arg10[%swap3A_108, %swap3A_109], %swap3A_112 {strides = array<i32>} : memref<2x640xf32, #tpu.memory_space<vmem>>, vector<1x16xf32>,
    %swap3A_113 = arith.constant 1 : i32
    %swap3A_114 = arith.index_cast %swap3A_113 : i32 to index
    %swap3A_115 = arith.constant 96 : index
    %swap3A_116 = tpu.vector_load %arg10[%swap3A_114, %swap3A_115] {strides = array<i32>} : memref<2x640xf32, #tpu.memory_space<vmem>>, vector<1x16xf32>,
    %swap3A_117 = vector.shape_cast %swap3A_116 : vector<1x16xf32> to vector<16xf32>
    %swap3A_118 = vector.shape_cast %broadcast_in_dim3A_1 : vector<16xf32> to vector<1x16xf32>
    tpu.vector_store %arg10[%swap3A_114, %swap3A_115], %swap3A_118 {strides = array<i32>} : memref<2x640xf32, #tpu.memory_space<vmem>>, vector<1x16xf32>,
    %swap3A_119 = arith.constant 0 : i32
    %swap3A_120 = arith.index_cast %swap3A_119 : i32 to index
    %swap3A_121 = arith.constant 112 : index
    %swap3A_122 = tpu.vector_load %arg10[%swap3A_120, %swap3A_121] {strides = array<i32>} : memref<2x640xf32, #tpu.memory_space<vmem>>, vector<1x16xf32>,
    %swap3A_123 = vector.shape_cast %swap3A_122 : vector<1x16xf32> to vector<16xf32>
    %swap3A_124 = vector.shape_cast %broadcast_in_dim3A_1 : vector<16xf32> to vector<1x16xf32>
    tpu.vector_store %arg10[%swap3A_120, %swap3A_121], %swap3A_124 {strides = array<i32>} : memref<2x640xf32, #tpu.memory_space<vmem>>, vector<1x16xf32>,
    %swap3A_125 = arith.constant 1 : i32
    %swap3A_126 = arith.index_cast %swap3A_125 : i32 to index
    %swap3A_127 = arith.constant 112 : index
    %swap3A_128 = tpu.vector_load %arg10[%swap3A_126, %swap3A_127] {strides = array<i32>} : memref<2x640xf32, #tpu.memory_space<vmem>>, vector<1x16xf32>,
    %swap3A_129 = vector.shape_cast %swap3A_128 : vector<1x16xf32> to vector<16xf32>
    %swap3A_130 = vector.shape_cast %broadcast_in_dim3A_1 : vector<16xf32> to vector<1x16xf32>
    tpu.vector_store %arg10[%swap3A_126, %swap3A_127], %swap3A_130 {strides = array<i32>} : memref<2x640xf32, #tpu.memory_space<vmem>>, vector<1x16xf32>,
    %swap3A_131 = arith.constant 0 : i32
    %swap3A_132 = arith.index_cast %swap3A_131 : i32 to index
    %swap3A_133 = arith.constant 128 : index
    %swap3A_134 = tpu.vector_load %arg10[%swap3A_132, %swap3A_133] {strides = array<i32>} : memref<2x640xf32, #tpu.memory_space<vmem>>, vector<1x16xf32>,
    %swap3A_135 = vector.shape_cast %swap3A_134 : vector<1x16xf32> to vector<16xf32>
    %swap3A_136 = vector.shape_cast %broadcast_in_dim3A_1 : vector<16xf32> to vector<1x16xf32>
    tpu.vector_store %arg10[%swap3A_132, %swap3A_133], %swap3A_136 {strides = array<i32>} : memref<2x640xf32, #tpu.memory_space<vmem>>, vector<1x16xf32>,
    %swap3A_137 = arith.constant 1 : i32
    %swap3A_138 = arith.index_cast %swap3A_137 : i32 to index
    %swap3A_139 = arith.constant 128 : index
    %swap3A_140 = tpu.vector_load %arg10[%swap3A_138, %swap3A_139] {strides = array<i32>} : memref<2x640xf32, #tpu.memory_space<vmem>>, vector<1x16xf32>,
    %swap3A_141 = vector.shape_cast %swap3A_140 : vector<1x16xf32> to vector<16xf32>
    %swap3A_142 = vector.shape_cast %broadcast_in_dim3A_1 : vector<16xf32> to vector<1x16xf32>
    tpu.vector_store %arg10[%swap3A_138, %swap3A_139], %swap3A_142 {strides = array<i32>} : memref<2x640xf32, #tpu.memory_space<vmem>>, vector<1x16xf32>,
    %swap3A_143 = arith.constant 0 : i32
    %swap3A_144 = arith.index_cast %swap3A_143 : i32 to index
    %swap3A_145 = arith.constant 144 : index
    %swap3A_146 = tpu.vector_load %arg10[%swap3A_144, %swap3A_145] {strides = array<i32>} : memref<2x640xf32, #tpu.memory_space<vmem>>, vector<1x16xf32>,
    %swap3A_147 = vector.shape_cast %swap3A_146 : vector<1x16xf32> to vector<16xf32>
    %swap3A_148 = vector.shape_cast %broadcast_in_dim3A_1 : vector<16xf32> to vector<1x16xf32>
    tpu.vector_store %arg10[%swap3A_144, %swap3A_145], %swap3A_148 {strides = array<i32>} : memref<2x640xf32, #tpu.memory_space<vmem>>, vector<1x16xf32>,
    %swap3A_149 = arith.constant 1 : i32
    %swap3A_150 = arith.index_cast %swap3A_149 : i32 to index
    %swap3A_151 = arith.constant 144 : index
    %swap3A_152 = tpu.vector_load %arg10[%swap3A_150, %swap3A_151] {strides = array<i32>} : memref<2x640xf32, #tpu.memory_space<vmem>>, vector<1x16xf32>,
    %swap3A_153 = vector.shape_cast %swap3A_152 : vector<1x16xf32> to vector<16xf32>
    %swap3A_154 = vector.shape_cast %broadcast_in_dim3A_1 : vector<16xf32> to vector<1x16xf32>
    tpu.vector_store %arg10[%swap3A_150, %swap3A_151], %swap3A_154 {strides = array<i32>} : memref<2x640xf32, #tpu.memory_space<vmem>>, vector<1x16xf32>,
    %swap3A_155 = arith.constant 0 : i32
    %swap3A_156 = arith.index_cast %swap3A_155 : i32 to index
    %swap3A_157 = arith.constant 160 : index
    %swap3A_158 = tpu.vector_load %arg10[%swap3A_156, %swap3A_157] {strides = array<i32>} : memref<2x640xf32, #tpu.memory_space<vmem>>, vector<1x16xf32>,
    %swap3A_159 = vector.shape_cast %swap3A_158 : vector<1x16xf32> to vector<16xf32>
    %swap3A_160 = vector.shape_cast %broadcast_in_dim3A_1 : vector<16xf32> to vector<1x16xf32>
    tpu.vector_store %arg10[%swap3A_156, %swap3A_157], %swap3A_160 {strides = array<i32>} : memref<2x640xf32, #tpu.memory_space<vmem>>, vector<1x16xf32>,
    %swap3A_161 = arith.constant 1 : i32
    %swap3A_162 = arith.index_cast %swap3A_161 : i32 to index
    %swap3A_163 = arith.constant 160 : index
    %swap3A_164 = tpu.vector_load %arg10[%swap3A_162, %swap3A_163] {strides = array<i32>} : memref<2x640xf32, #tpu.memory_space<vmem>>, vector<1x16xf32>,
    %swap3A_165 = vector.shape_cast %swap3A_164 : vector<1x16xf32> to vector<16xf32>
    %swap3A_166 = vector.shape_cast %broadcast_in_dim3A_1 : vector<16xf32> to vector<1x16xf32>
    tpu.vector_store %arg10[%swap3A_162, %swap3A_163], %swap3A_166 {strides = array<i32>} : memref<2x640xf32, #tpu.memory_space<vmem>>, vector<1x16xf32>,
    %swap3A_167 = arith.constant 0 : i32
    %swap3A_168 = arith.index_cast %swap3A_167 : i32 to index
    %swap3A_169 = arith.constant 176 : index
    %swap3A_170 = tpu.vector_load %arg10[%swap3A_168, %swap3A_169] {strides = array<i32>} : memref<2x640xf32, #tpu.memory_space<vmem>>, vector<1x16xf32>,
    %swap3A_171 = vector.shape_cast %swap3A_170 : vector<1x16xf32> to vector<16xf32>
    %swap3A_172 = vector.shape_cast %broadcast_in_dim3A_1 : vector<16xf32> to vector<1x16xf32>
    tpu.vector_store %arg10[%swap3A_168, %swap3A_169], %swap3A_172 {strides = array<i32>} : memref<2x640xf32, #tpu.memory_space<vmem>>, vector<1x16xf32>,
    %swap3A_173 = arith.constant 1 : i32
    %swap3A_174 = arith.index_cast %swap3A_173 : i32 to index
    %swap3A_175 = arith.constant 176 : index
    %swap3A_176 = tpu.vector_load %arg10[%swap3A_174, %swap3A_175] {strides = array<i32>} : memref<2x640xf32, #tpu.memory_space<vmem>>, vector<1x16xf32>,
    %swap3A_177 = vector.shape_cast %swap3A_176 : vector<1x16xf32> to vector<16xf32>
    %swap3A_178 = vector.shape_cast %broadcast_in_dim3A_1 : vector<16xf32> to vector<1x16xf32>
    tpu.vector_store %arg10[%swap3A_174, %swap3A_175], %swap3A_178 {strides = array<i32>} : memref<2x640xf32, #tpu.memory_space<vmem>>, vector<1x16xf32>,
    %swap3A_179 = arith.constant 0 : i32
    %swap3A_180 = arith.index_cast %swap3A_179 : i32 to index
    %swap3A_181 = arith.constant 192 : index
    %swap3A_182 = tpu.vector_load %arg10[%swap3A_180, %swap3A_181] {strides = array<i32>} : memref<2x640xf32, #tpu.memory_space<vmem>>, vector<1x16xf32>,
    %swap3A_183 = vector.shape_cast %swap3A_182 : vector<1x16xf32> to vector<16xf32>
    %swap3A_184 = vector.shape_cast %broadcast_in_dim3A_1 : vector<16xf32> to vector<1x16xf32>
    tpu.vector_store %arg10[%swap3A_180, %swap3A_181], %swap3A_184 {strides = array<i32>} : memref<2x640xf32, #tpu.memory_space<vmem>>, vector<1x16xf32>,
    %swap3A_185 = arith.constant 1 : i32
    %swap3A_186 = arith.index_cast %swap3A_185 : i32 to index
    %swap3A_187 = arith.constant 192 : index
    %swap3A_188 = tpu.vector_load %arg10[%swap3A_186, %swap3A_187] {strides = array<i32>} : memref<2x640xf32, #tpu.memory_space<vmem>>, vector<1x16xf32>,
    %swap3A_189 = vector.shape_cast %swap3A_188 : vector<1x16xf32> to vector<16xf32>
    %swap3A_190 = vector.shape_cast %broadcast_in_dim3A_1 : vector<16xf32> to vector<1x16xf32>
    tpu.vector_store %arg10[%swap3A_186, %swap3A_187], %swap3A_190 {strides = array<i32>} : memref<2x640xf32, #tpu.memory_space<vmem>>, vector<1x16xf32>,
    %swap3A_191 = arith.constant 0 : i32
    %swap3A_192 = arith.index_cast %swap3A_191 : i32 to index
    %swap3A_193 = arith.constant 208 : index
    %swap3A_194 = tpu.vector_load %arg10[%swap3A_192, %swap3A_193] {strides = array<i32>} : memref<2x640xf32, #tpu.memory_space<vmem>>, vector<1x16xf32>,
    %swap3A_195 = vector.shape_cast %swap3A_194 : vector<1x16xf32> to vector<16xf32>
    %swap3A_196 = vector.shape_cast %broadcast_in_dim3A_1 : vector<16xf32> to vector<1x16xf32>
    tpu.vector_store %arg10[%swap3A_192, %swap3A_193], %swap3A_196 {strides = array<i32>} : memref<2x640xf32, #tpu.memory_space<vmem>>, vector<1x16xf32>,
    %swap3A_197 = arith.constant 1 : i32
    %swap3A_198 = arith.index_cast %swap3A_197 : i32 to index
    %swap3A_199 = arith.constant 208 : index
    %swap3A_200 = tpu.vector_load %arg10[%swap3A_198, %swap3A_199] {strides = array<i32>} : memref<2x640xf32, #tpu.memory_space<vmem>>, vector<1x16xf32>,
    %swap3A_201 = vector.shape_cast %swap3A_200 : vector<1x16xf32> to vector<16xf32>
    %swap3A_202 = vector.shape_cast %broadcast_in_dim3A_1 : vector<16xf32> to vector<1x16xf32>
    tpu.vector_store %arg10[%swap3A_198, %swap3A_199], %swap3A_202 {strides = array<i32>} : memref<2x640xf32, #tpu.memory_space<vmem>>, vector<1x16xf32>,
    %swap3A_203 = arith.constant 0 : i32
    %swap3A_204 = arith.index_cast %swap3A_203 : i32 to index
    %swap3A_205 = arith.constant 224 : index
    %swap3A_206 = tpu.vector_load %arg10[%swap3A_204, %swap3A_205] {strides = array<i32>} : memref<2x640xf32, #tpu.memory_space<vmem>>, vector<1x16xf32>,
    %swap3A_207 = vector.shape_cast %swap3A_206 : vector<1x16xf32> to vector<16xf32>
    %swap3A_208 = vector.shape_cast %broadcast_in_dim3A_1 : vector<16xf32> to vector<1x16xf32>
    tpu.vector_store %arg10[%swap3A_204, %swap3A_205], %swap3A_208 {strides = array<i32>} : memref<2x640xf32, #tpu.memory_space<vmem>>, vector<1x16xf32>,
    %swap3A_209 = arith.constant 1 : i32
    %swap3A_210 = arith.index_cast %swap3A_209 : i32 to index
    %swap3A_211 = arith.constant 224 : index
    %swap3A_212 = tpu.vector_load %arg10[%swap3A_210, %swap3A_211] {strides = array<i32>} : memref<2x640xf32, #tpu.memory_space<vmem>>, vector<1x16xf32>,
    %swap3A_213 = vector.shape_cast %swap3A_212 : vector<1x16xf32> to vector<16xf32>
    %swap3A_214 = vector.shape_cast %broadcast_in_dim3A_1 : vector<16xf32> to vector<1x16xf32>
    tpu.vector_store %arg10[%swap3A_210, %swap3A_211], %swap3A_214 {strides = array<i32>} : memref<2x640xf32, #tpu.memory_space<vmem>>, vector<1x16xf32>,
    %swap3A_215 = arith.constant 0 : i32
    %swap3A_216 = arith.index_cast %swap3A_215 : i32 to index
    %swap3A_217 = arith.constant 240 : index
    %swap3A_218 = tpu.vector_load %arg10[%swap3A_216, %swap3A_217] {strides = array<i32>} : memref<2x640xf32, #tpu.memory_space<vmem>>, vector<1x16xf32>,
    %swap3A_219 = vector.shape_cast %swap3A_218 : vector<1x16xf32> to vector<16xf32>
    %swap3A_220 = vector.shape_cast %broadcast_in_dim3A_1 : vector<16xf32> to vector<1x16xf32>
    tpu.vector_store %arg10[%swap3A_216, %swap3A_217], %swap3A_220 {strides = array<i32>} : memref<2x640xf32, #tpu.memory_space<vmem>>, vector<1x16xf32>,
    %swap3A_221 = arith.constant 1 : i32
    %swap3A_222 = arith.index_cast %swap3A_221 : i32 to index
    %swap3A_223 = arith.constant 240 : index
    %swap3A_224 = tpu.vector_load %arg10[%swap3A_222, %swap3A_223] {strides = array<i32>} : memref<2x640xf32, #tpu.memory_space<vmem>>, vector<1x16xf32>,
    %swap3A_225 = vector.shape_cast %swap3A_224 : vector<1x16xf32> to vector<16xf32>
    %swap3A_226 = vector.shape_cast %broadcast_in_dim3A_1 : vector<16xf32> to vector<1x16xf32>
    tpu.vector_store %arg10[%swap3A_222, %swap3A_223], %swap3A_226 {strides = array<i32>} : memref<2x640xf32, #tpu.memory_space<vmem>>, vector<1x16xf32>,
    %swap3A_227 = arith.constant 0 : i32
    %swap3A_228 = arith.index_cast %swap3A_227 : i32 to index
    %swap3A_229 = arith.constant 256 : index
    %swap3A_230 = tpu.vector_load %arg10[%swap3A_228, %swap3A_229] {strides = array<i32>} : memref<2x640xf32, #tpu.memory_space<vmem>>, vector<1x16xf32>,
    %swap3A_231 = vector.shape_cast %swap3A_230 : vector<1x16xf32> to vector<16xf32>
    %swap3A_232 = vector.shape_cast %broadcast_in_dim3A_1 : vector<16xf32> to vector<1x16xf32>
    tpu.vector_store %arg10[%swap3A_228, %swap3A_229], %swap3A_232 {strides = array<i32>} : memref<2x640xf32, #tpu.memory_space<vmem>>, vector<1x16xf32>,
    %swap3A_233 = arith.constant 1 : i32
    %swap3A_234 = arith.index_cast %swap3A_233 : i32 to index
    %swap3A_235 = arith.constant 256 : index
    %swap3A_236 = tpu.vector_load %arg10[%swap3A_234, %swap3A_235] {strides = array<i32>} : memref<2x640xf32, #tpu.memory_space<vmem>>, vector<1x16xf32>,
    %swap3A_237 = vector.shape_cast %swap3A_236 : vector<1x16xf32> to vector<16xf32>
    %swap3A_238 = vector.shape_cast %broadcast_in_dim3A_1 : vector<16xf32> to vector<1x16xf32>
    tpu.vector_store %arg10[%swap3A_234, %swap3A_235], %swap3A_238 {strides = array<i32>} : memref<2x640xf32, #tpu.memory_space<vmem>>, vector<1x16xf32>,
    %swap3A_239 = arith.constant 0 : i32
    %swap3A_240 = arith.index_cast %swap3A_239 : i32 to index
    %swap3A_241 = arith.constant 272 : index
    %swap3A_242 = tpu.vector_load %arg10[%swap3A_240, %swap3A_241] {strides = array<i32>} : memref<2x640xf32, #tpu.memory_space<vmem>>, vector<1x16xf32>,
    %swap3A_243 = vector.shape_cast %swap3A_242 : vector<1x16xf32> to vector<16xf32>
    %swap3A_244 = vector.shape_cast %broadcast_in_dim3A_1 : vector<16xf32> to vector<1x16xf32>
    tpu.vector_store %arg10[%swap3A_240, %swap3A_241], %swap3A_244 {strides = array<i32>} : memref<2x640xf32, #tpu.memory_space<vmem>>, vector<1x16xf32>,
    %swap3A_245 = arith.constant 1 : i32
    %swap3A_246 = arith.index_cast %swap3A_245 : i32 to index
    %swap3A_247 = arith.constant 272 : index
    %swap3A_248 = tpu.vector_load %arg10[%swap3A_246, %swap3A_247] {strides = array<i32>} : memref<2x640xf32, #tpu.memory_space<vmem>>, vector<1x16xf32>,
    %swap3A_249 = vector.shape_cast %swap3A_248 : vector<1x16xf32> to vector<16xf32>
    %swap3A_250 = vector.shape_cast %broadcast_in_dim3A_1 : vector<16xf32> to vector<1x16xf32>
    tpu.vector_store %arg10[%swap3A_246, %swap3A_247], %swap3A_250 {strides = array<i32>} : memref<2x640xf32, #tpu.memory_space<vmem>>, vector<1x16xf32>,
    %swap3A_251 = arith.constant 0 : i32
    %swap3A_252 = arith.index_cast %swap3A_251 : i32 to index
    %swap3A_253 = arith.constant 288 : index
    %swap3A_254 = tpu.vector_load %arg10[%swap3A_252, %swap3A_253] {strides = array<i32>} : memref<2x640xf32, #tpu.memory_space<vmem>>, vector<1x16xf32>,
    %swap3A_255 = vector.shape_cast %swap3A_254 : vector<1x16xf32> to vector<16xf32>
    %swap3A_256 = vector.shape_cast %broadcast_in_dim3A_1 : vector<16xf32> to vector<1x16xf32>
    tpu.vector_store %arg10[%swap3A_252, %swap3A_253], %swap3A_256 {strides = array<i32>} : memref<2x640xf32, #tpu.memory_space<vmem>>, vector<1x16xf32>,
    %swap3A_257 = arith.constant 1 : i32
    %swap3A_258 = arith.index_cast %swap3A_257 : i32 to index
    %swap3A_259 = arith.constant 288 : index
    %swap3A_260 = tpu.vector_load %arg10[%swap3A_258, %swap3A_259] {strides = array<i32>} : memref<2x640xf32, #tpu.memory_space<vmem>>, vector<1x16xf32>,
    %swap3A_261 = vector.shape_cast %swap3A_260 : vector<1x16xf32> to vector<16xf32>
    %swap3A_262 = vector.shape_cast %broadcast_in_dim3A_1 : vector<16xf32> to vector<1x16xf32>
    tpu.vector_store %arg10[%swap3A_258, %swap3A_259], %swap3A_262 {strides = array<i32>} : memref<2x640xf32, #tpu.memory_space<vmem>>, vector<1x16xf32>,
    %swap3A_263 = arith.constant 0 : i32
    %swap3A_264 = arith.index_cast %swap3A_263 : i32 to index
    %swap3A_265 = arith.constant 304 : index
    %swap3A_266 = tpu.vector_load %arg10[%swap3A_264, %swap3A_265] {strides = array<i32>} : memref<2x640xf32, #tpu.memory_space<vmem>>, vector<1x16xf32>,
    %swap3A_267 = vector.shape_cast %swap3A_266 : vector<1x16xf32> to vector<16xf32>
    %swap3A_268 = vector.shape_cast %broadcast_in_dim3A_1 : vector<16xf32> to vector<1x16xf32>
    tpu.vector_store %arg10[%swap3A_264, %swap3A_265], %swap3A_268 {strides = array<i32>} : memref<2x640xf32, #tpu.memory_space<vmem>>, vector<1x16xf32>,
    %swap3A_269 = arith.constant 1 : i32
    %swap3A_270 = arith.index_cast %swap3A_269 : i32 to index
    %swap3A_271 = arith.constant 304 : index
    %swap3A_272 = tpu.vector_load %arg10[%swap3A_270, %swap3A_271] {strides = array<i32>} : memref<2x640xf32, #tpu.memory_space<vmem>>, vector<1x16xf32>,
    %swap3A_273 = vector.shape_cast %swap3A_272 : vector<1x16xf32> to vector<16xf32>
    %swap3A_274 = vector.shape_cast %broadcast_in_dim3A_1 : vector<16xf32> to vector<1x16xf32>
    tpu.vector_store %arg10[%swap3A_270, %swap3A_271], %swap3A_274 {strides = array<i32>} : memref<2x640xf32, #tpu.memory_space<vmem>>, vector<1x16xf32>,
    %swap3A_275 = arith.constant 0 : i32
    %swap3A_276 = arith.index_cast %swap3A_275 : i32 to index
    %swap3A_277 = arith.constant 320 : index
    %swap3A_278 = tpu.vector_load %arg10[%swap3A_276, %swap3A_277] {strides = array<i32>} : memref<2x640xf32, #tpu.memory_space<vmem>>, vector<1x16xf32>,
    %swap3A_279 = vector.shape_cast %swap3A_278 : vector<1x16xf32> to vector<16xf32>
    %swap3A_280 = vector.shape_cast %broadcast_in_dim3A_1 : vector<16xf32> to vector<1x16xf32>
    tpu.vector_store %arg10[%swap3A_276, %swap3A_277], %swap3A_280 {strides = array<i32>} : memref<2x640xf32, #tpu.memory_space<vmem>>, vector<1x16xf32>,
    %swap3A_281 = arith.constant 1 : i32
    %swap3A_282 = arith.index_cast %swap3A_281 : i32 to index
    %swap3A_283 = arith.constant 320 : index
    %swap3A_284 = tpu.vector_load %arg10[%swap3A_282, %swap3A_283] {strides = array<i32>} : memref<2x640xf32, #tpu.memory_space<vmem>>, vector<1x16xf32>,
    %swap3A_285 = vector.shape_cast %swap3A_284 : vector<1x16xf32> to vector<16xf32>
    %swap3A_286 = vector.shape_cast %broadcast_in_dim3A_1 : vector<16xf32> to vector<1x16xf32>
    tpu.vector_store %arg10[%swap3A_282, %swap3A_283], %swap3A_286 {strides = array<i32>} : memref<2x640xf32, #tpu.memory_space<vmem>>, vector<1x16xf32>,
    %swap3A_287 = arith.constant 0 : i32
    %swap3A_288 = arith.index_cast %swap3A_287 : i32 to index
    %swap3A_289 = arith.constant 336 : index
    %swap3A_290 = tpu.vector_load %arg10[%swap3A_288, %swap3A_289] {strides = array<i32>} : memref<2x640xf32, #tpu.memory_space<vmem>>, vector<1x16xf32>,
    %swap3A_291 = vector.shape_cast %swap3A_290 : vector<1x16xf32> to vector<16xf32>
    %swap3A_292 = vector.shape_cast %broadcast_in_dim3A_1 : vector<16xf32> to vector<1x16xf32>
    tpu.vector_store %arg10[%swap3A_288, %swap3A_289], %swap3A_292 {strides = array<i32>} : memref<2x640xf32, #tpu.memory_space<vmem>>, vector<1x16xf32>,
    %swap3A_293 = arith.constant 1 : i32
    %swap3A_294 = arith.index_cast %swap3A_293 : i32 to index
    %swap3A_295 = arith.constant 336 : index
    %swap3A_296 = tpu.vector_load %arg10[%swap3A_294, %swap3A_295] {strides = array<i32>} : memref<2x640xf32, #tpu.memory_space<vmem>>, vector<1x16xf32>,
    %swap3A_297 = vector.shape_cast %swap3A_296 : vector<1x16xf32> to vector<16xf32>
    %swap3A_298 = vector.shape_cast %broadcast_in_dim3A_1 : vector<16xf32> to vector<1x16xf32>
    tpu.vector_store %arg10[%swap3A_294, %swap3A_295], %swap3A_298 {strides = array<i32>} : memref<2x640xf32, #tpu.memory_space<vmem>>, vector<1x16xf32>,
    %swap3A_299 = arith.constant 0 : i32
    %swap3A_300 = arith.index_cast %swap3A_299 : i32 to index
    %swap3A_301 = arith.constant 352 : index
    %swap3A_302 = tpu.vector_load %arg10[%swap3A_300, %swap3A_301] {strides = array<i32>} : memref<2x640xf32, #tpu.memory_space<vmem>>, vector<1x16xf32>,
    %swap3A_303 = vector.shape_cast %swap3A_302 : vector<1x16xf32> to vector<16xf32>
    %swap3A_304 = vector.shape_cast %broadcast_in_dim3A_1 : vector<16xf32> to vector<1x16xf32>
    tpu.vector_store %arg10[%swap3A_300, %swap3A_301], %swap3A_304 {strides = array<i32>} : memref<2x640xf32, #tpu.memory_space<vmem>>, vector<1x16xf32>,
    %swap3A_305 = arith.constant 1 : i32
    %swap3A_306 = arith.index_cast %swap3A_305 : i32 to index
    %swap3A_307 = arith.constant 352 : index
    %swap3A_308 = tpu.vector_load %arg10[%swap3A_306, %swap3A_307] {strides = array<i32>} : memref<2x640xf32, #tpu.memory_space<vmem>>, vector<1x16xf32>,
    %swap3A_309 = vector.shape_cast %swap3A_308 : vector<1x16xf32> to vector<16xf32>
    %swap3A_310 = vector.shape_cast %broadcast_in_dim3A_1 : vector<16xf32> to vector<1x16xf32>
    tpu.vector_store %arg10[%swap3A_306, %swap3A_307], %swap3A_310 {strides = array<i32>} : memref<2x640xf32, #tpu.memory_space<vmem>>, vector<1x16xf32>,
    %swap3A_311 = arith.constant 0 : i32
    %swap3A_312 = arith.index_cast %swap3A_311 : i32 to index
    %swap3A_313 = arith.constant 368 : index
    %swap3A_314 = tpu.vector_load %arg10[%swap3A_312, %swap3A_313] {strides = array<i32>} : memref<2x640xf32, #tpu.memory_space<vmem>>, vector<1x16xf32>,
    %swap3A_315 = vector.shape_cast %swap3A_314 : vector<1x16xf32> to vector<16xf32>
    %swap3A_316 = vector.shape_cast %broadcast_in_dim3A_1 : vector<16xf32> to vector<1x16xf32>
    tpu.vector_store %arg10[%swap3A_312, %swap3A_313], %swap3A_316 {strides = array<i32>} : memref<2x640xf32, #tpu.memory_space<vmem>>, vector<1x16xf32>,
    %swap3A_317 = arith.constant 1 : i32
    %swap3A_318 = arith.index_cast %swap3A_317 : i32 to index
    %swap3A_319 = arith.constant 368 : index
    %swap3A_320 = tpu.vector_load %arg10[%swap3A_318, %swap3A_319] {strides = array<i32>} : memref<2x640xf32, #tpu.memory_space<vmem>>, vector<1x16xf32>,
    %swap3A_321 = vector.shape_cast %swap3A_320 : vector<1x16xf32> to vector<16xf32>
    %swap3A_322 = vector.shape_cast %broadcast_in_dim3A_1 : vector<16xf32> to vector<1x16xf32>
    tpu.vector_store %arg10[%swap3A_318, %swap3A_319], %swap3A_322 {strides = array<i32>} : memref<2x640xf32, #tpu.memory_space<vmem>>, vector<1x16xf32>,
    %swap3A_323 = arith.constant 0 : i32
    %swap3A_324 = arith.index_cast %swap3A_323 : i32 to index
    %swap3A_325 = arith.constant 384 : index
    %swap3A_326 = tpu.vector_load %arg10[%swap3A_324, %swap3A_325] {strides = array<i32>} : memref<2x640xf32, #tpu.memory_space<vmem>>, vector<1x16xf32>,
    %swap3A_327 = vector.shape_cast %swap3A_326 : vector<1x16xf32> to vector<16xf32>
    %swap3A_328 = vector.shape_cast %broadcast_in_dim3A_1 : vector<16xf32> to vector<1x16xf32>
    tpu.vector_store %arg10[%swap3A_324, %swap3A_325], %swap3A_328 {strides = array<i32>} : memref<2x640xf32, #tpu.memory_space<vmem>>, vector<1x16xf32>,
    %swap3A_329 = arith.constant 1 : i32
    %swap3A_330 = arith.index_cast %swap3A_329 : i32 to index
    %swap3A_331 = arith.constant 384 : index
    %swap3A_332 = tpu.vector_load %arg10[%swap3A_330, %swap3A_331] {strides = array<i32>} : memref<2x640xf32, #tpu.memory_space<vmem>>, vector<1x16xf32>,
    %swap3A_333 = vector.shape_cast %swap3A_332 : vector<1x16xf32> to vector<16xf32>
    %swap3A_334 = vector.shape_cast %broadcast_in_dim3A_1 : vector<16xf32> to vector<1x16xf32>
    tpu.vector_store %arg10[%swap3A_330, %swap3A_331], %swap3A_334 {strides = array<i32>} : memref<2x640xf32, #tpu.memory_space<vmem>>, vector<1x16xf32>,
    %swap3A_335 = arith.constant 0 : i32
    %swap3A_336 = arith.index_cast %swap3A_335 : i32 to index
    %swap3A_337 = arith.constant 400 : index
    %swap3A_338 = tpu.vector_load %arg10[%swap3A_336, %swap3A_337] {strides = array<i32>} : memref<2x640xf32, #tpu.memory_space<vmem>>, vector<1x16xf32>,
    %swap3A_339 = vector.shape_cast %swap3A_338 : vector<1x16xf32> to vector<16xf32>
    %swap3A_340 = vector.shape_cast %broadcast_in_dim3A_1 : vector<16xf32> to vector<1x16xf32>
    tpu.vector_store %arg10[%swap3A_336, %swap3A_337], %swap3A_340 {strides = array<i32>} : memref<2x640xf32, #tpu.memory_space<vmem>>, vector<1x16xf32>,
    %swap3A_341 = arith.constant 1 : i32
    %swap3A_342 = arith.index_cast %swap3A_341 : i32 to index
    %swap3A_343 = arith.constant 400 : index
    %swap3A_344 = tpu.vector_load %arg10[%swap3A_342, %swap3A_343] {strides = array<i32>} : memref<2x640xf32, #tpu.memory_space<vmem>>, vector<1x16xf32>,
    %swap3A_345 = vector.shape_cast %swap3A_344 : vector<1x16xf32> to vector<16xf32>
    %swap3A_346 = vector.shape_cast %broadcast_in_dim3A_1 : vector<16xf32> to vector<1x16xf32>
    tpu.vector_store %arg10[%swap3A_342, %swap3A_343], %swap3A_346 {strides = array<i32>} : memref<2x640xf32, #tpu.memory_space<vmem>>, vector<1x16xf32>,
    %swap3A_347 = arith.constant 0 : i32
    %swap3A_348 = arith.index_cast %swap3A_347 : i32 to index
    %swap3A_349 = arith.constant 416 : index
    %swap3A_350 = tpu.vector_load %arg10[%swap3A_348, %swap3A_349] {strides = array<i32>} : memref<2x640xf32, #tpu.memory_space<vmem>>, vector<1x16xf32>,
    %swap3A_351 = vector.shape_cast %swap3A_350 : vector<1x16xf32> to vector<16xf32>
    %swap3A_352 = vector.shape_cast %broadcast_in_dim3A_1 : vector<16xf32> to vector<1x16xf32>
    tpu.vector_store %arg10[%swap3A_348, %swap3A_349], %swap3A_352 {strides = array<i32>} : memref<2x640xf32, #tpu.memory_space<vmem>>, vector<1x16xf32>,
    %swap3A_353 = arith.constant 1 : i32
    %swap3A_354 = arith.index_cast %swap3A_353 : i32 to index
    %swap3A_355 = arith.constant 416 : index
    %swap3A_356 = tpu.vector_load %arg10[%swap3A_354, %swap3A_355] {strides = array<i32>} : memref<2x640xf32, #tpu.memory_space<vmem>>, vector<1x16xf32>,
    %swap3A_357 = vector.shape_cast %swap3A_356 : vector<1x16xf32> to vector<16xf32>
    %swap3A_358 = vector.shape_cast %broadcast_in_dim3A_1 : vector<16xf32> to vector<1x16xf32>
    tpu.vector_store %arg10[%swap3A_354, %swap3A_355], %swap3A_358 {strides = array<i32>} : memref<2x640xf32, #tpu.memory_space<vmem>>, vector<1x16xf32>,
    %swap3A_359 = arith.constant 0 : i32
    %swap3A_360 = arith.index_cast %swap3A_359 : i32 to index
    %swap3A_361 = arith.constant 432 : index
    %swap3A_362 = tpu.vector_load %arg10[%swap3A_360, %swap3A_361] {strides = array<i32>} : memref<2x640xf32, #tpu.memory_space<vmem>>, vector<1x16xf32>,
    %swap3A_363 = vector.shape_cast %swap3A_362 : vector<1x16xf32> to vector<16xf32>
    %swap3A_364 = vector.shape_cast %broadcast_in_dim3A_1 : vector<16xf32> to vector<1x16xf32>
    tpu.vector_store %arg10[%swap3A_360, %swap3A_361], %swap3A_364 {strides = array<i32>} : memref<2x640xf32, #tpu.memory_space<vmem>>, vector<1x16xf32>,
    %swap3A_365 = arith.constant 1 : i32
    %swap3A_366 = arith.index_cast %swap3A_365 : i32 to index
    %swap3A_367 = arith.constant 432 : index
    %swap3A_368 = tpu.vector_load %arg10[%swap3A_366, %swap3A_367] {strides = array<i32>} : memref<2x640xf32, #tpu.memory_space<vmem>>, vector<1x16xf32>,
    %swap3A_369 = vector.shape_cast %swap3A_368 : vector<1x16xf32> to vector<16xf32>
    %swap3A_370 = vector.shape_cast %broadcast_in_dim3A_1 : vector<16xf32> to vector<1x16xf32>
    tpu.vector_store %arg10[%swap3A_366, %swap3A_367], %swap3A_370 {strides = array<i32>} : memref<2x640xf32, #tpu.memory_space<vmem>>, vector<1x16xf32>,
    %swap3A_371 = arith.constant 0 : i32
    %swap3A_372 = arith.index_cast %swap3A_371 : i32 to index
    %swap3A_373 = arith.constant 448 : index
    %swap3A_374 = tpu.vector_load %arg10[%swap3A_372, %swap3A_373] {strides = array<i32>} : memref<2x640xf32, #tpu.memory_space<vmem>>, vector<1x16xf32>,
    %swap3A_375 = vector.shape_cast %swap3A_374 : vector<1x16xf32> to vector<16xf32>
    %swap3A_376 = vector.shape_cast %broadcast_in_dim3A_1 : vector<16xf32> to vector<1x16xf32>
    tpu.vector_store %arg10[%swap3A_372, %swap3A_373], %swap3A_376 {strides = array<i32>} : memref<2x640xf32, #tpu.memory_space<vmem>>, vector<1x16xf32>,
    %swap3A_377 = arith.constant 1 : i32
    %swap3A_378 = arith.index_cast %swap3A_377 : i32 to index
    %swap3A_379 = arith.constant 448 : index
    %swap3A_380 = tpu.vector_load %arg10[%swap3A_378, %swap3A_379] {strides = array<i32>} : memref<2x640xf32, #tpu.memory_space<vmem>>, vector<1x16xf32>,
    %swap3A_381 = vector.shape_cast %swap3A_380 : vector<1x16xf32> to vector<16xf32>
    %swap3A_382 = vector.shape_cast %broadcast_in_dim3A_1 : vector<16xf32> to vector<1x16xf32>
    tpu.vector_store %arg10[%swap3A_378, %swap3A_379], %swap3A_382 {strides = array<i32>} : memref<2x640xf32, #tpu.memory_space<vmem>>, vector<1x16xf32>,
    %swap3A_383 = arith.constant 0 : i32
    %swap3A_384 = arith.index_cast %swap3A_383 : i32 to index
    %swap3A_385 = arith.constant 464 : index
    %swap3A_386 = tpu.vector_load %arg10[%swap3A_384, %swap3A_385] {strides = array<i32>} : memref<2x640xf32, #tpu.memory_space<vmem>>, vector<1x16xf32>,
    %swap3A_387 = vector.shape_cast %swap3A_386 : vector<1x16xf32> to vector<16xf32>
    %swap3A_388 = vector.shape_cast %broadcast_in_dim3A_1 : vector<16xf32> to vector<1x16xf32>
    tpu.vector_store %arg10[%swap3A_384, %swap3A_385], %swap3A_388 {strides = array<i32>} : memref<2x640xf32, #tpu.memory_space<vmem>>, vector<1x16xf32>,
    %swap3A_389 = arith.constant 1 : i32
    %swap3A_390 = arith.index_cast %swap3A_389 : i32 to index
    %swap3A_391 = arith.constant 464 : index
    %swap3A_392 = tpu.vector_load %arg10[%swap3A_390, %swap3A_391] {strides = array<i32>} : memref<2x640xf32, #tpu.memory_space<vmem>>, vector<1x16xf32>,
    %swap3A_393 = vector.shape_cast %swap3A_392 : vector<1x16xf32> to vector<16xf32>
    %swap3A_394 = vector.shape_cast %broadcast_in_dim3A_1 : vector<16xf32> to vector<1x16xf32>
    tpu.vector_store %arg10[%swap3A_390, %swap3A_391], %swap3A_394 {strides = array<i32>} : memref<2x640xf32, #tpu.memory_space<vmem>>, vector<1x16xf32>,
    %swap3A_395 = arith.constant 0 : i32
    %swap3A_396 = arith.index_cast %swap3A_395 : i32 to index
    %swap3A_397 = arith.constant 480 : index
    %swap3A_398 = tpu.vector_load %arg10[%swap3A_396, %swap3A_397] {strides = array<i32>} : memref<2x640xf32, #tpu.memory_space<vmem>>, vector<1x16xf32>,
    %swap3A_399 = vector.shape_cast %swap3A_398 : vector<1x16xf32> to vector<16xf32>
    %swap3A_400 = vector.shape_cast %broadcast_in_dim3A_1 : vector<16xf32> to vector<1x16xf32>
    tpu.vector_store %arg10[%swap3A_396, %swap3A_397], %swap3A_400 {strides = array<i32>} : memref<2x640xf32, #tpu.memory_space<vmem>>, vector<1x16xf32>,
    %swap3A_401 = arith.constant 1 : i32
    %swap3A_402 = arith.index_cast %swap3A_401 : i32 to index
    %swap3A_403 = arith.constant 480 : index
    %swap3A_404 = tpu.vector_load %arg10[%swap3A_402, %swap3A_403] {strides = array<i32>} : memref<2x640xf32, #tpu.memory_space<vmem>>, vector<1x16xf32>,
    %swap3A_405 = vector.shape_cast %swap3A_404 : vector<1x16xf32> to vector<16xf32>
    %swap3A_406 = vector.shape_cast %broadcast_in_dim3A_1 : vector<16xf32> to vector<1x16xf32>
    tpu.vector_store %arg10[%swap3A_402, %swap3A_403], %swap3A_406 {strides = array<i32>} : memref<2x640xf32, #tpu.memory_space<vmem>>, vector<1x16xf32>,
    %swap3A_407 = arith.constant 0 : i32
    %swap3A_408 = arith.index_cast %swap3A_407 : i32 to index
    %swap3A_409 = arith.constant 496 : index
    %swap3A_410 = tpu.vector_load %arg10[%swap3A_408, %swap3A_409] {strides = array<i32>} : memref<2x640xf32, #tpu.memory_space<vmem>>, vector<1x16xf32>,
    %swap3A_411 = vector.shape_cast %swap3A_410 : vector<1x16xf32> to vector<16xf32>
    %swap3A_412 = vector.shape_cast %broadcast_in_dim3A_1 : vector<16xf32> to vector<1x16xf32>
    tpu.vector_store %arg10[%swap3A_408, %swap3A_409], %swap3A_412 {strides = array<i32>} : memref<2x640xf32, #tpu.memory_space<vmem>>, vector<1x16xf32>,
    %swap3A_413 = arith.constant 1 : i32
    %swap3A_414 = arith.index_cast %swap3A_413 : i32 to index
    %swap3A_415 = arith.constant 496 : index
    %swap3A_416 = tpu.vector_load %arg10[%swap3A_414, %swap3A_415] {strides = array<i32>} : memref<2x640xf32, #tpu.memory_space<vmem>>, vector<1x16xf32>,
    %swap3A_417 = vector.shape_cast %swap3A_416 : vector<1x16xf32> to vector<16xf32>
    %swap3A_418 = vector.shape_cast %broadcast_in_dim3A_1 : vector<16xf32> to vector<1x16xf32>
    tpu.vector_store %arg10[%swap3A_414, %swap3A_415], %swap3A_418 {strides = array<i32>} : memref<2x640xf32, #tpu.memory_space<vmem>>, vector<1x16xf32>,
    %swap3A_419 = arith.constant 0 : i32
    %swap3A_420 = arith.index_cast %swap3A_419 : i32 to index
    %swap3A_421 = arith.constant 512 : index
    %swap3A_422 = tpu.vector_load %arg10[%swap3A_420, %swap3A_421] {strides = array<i32>} : memref<2x640xf32, #tpu.memory_space<vmem>>, vector<1x16xf32>,
    %swap3A_423 = vector.shape_cast %swap3A_422 : vector<1x16xf32> to vector<16xf32>
    %swap3A_424 = vector.shape_cast %broadcast_in_dim3A_1 : vector<16xf32> to vector<1x16xf32>
    tpu.vector_store %arg10[%swap3A_420, %swap3A_421], %swap3A_424 {strides = array<i32>} : memref<2x640xf32, #tpu.memory_space<vmem>>, vector<1x16xf32>,
    %swap3A_425 = arith.constant 1 : i32
    %swap3A_426 = arith.index_cast %swap3A_425 : i32 to index
    %swap3A_427 = arith.constant 512 : index
    %swap3A_428 = tpu.vector_load %arg10[%swap3A_426, %swap3A_427] {strides = array<i32>} : memref<2x640xf32, #tpu.memory_space<vmem>>, vector<1x16xf32>,
    %swap3A_429 = vector.shape_cast %swap3A_428 : vector<1x16xf32> to vector<16xf32>
    %swap3A_430 = vector.shape_cast %broadcast_in_dim3A_1 : vector<16xf32> to vector<1x16xf32>
    tpu.vector_store %arg10[%swap3A_426, %swap3A_427], %swap3A_430 {strides = array<i32>} : memref<2x640xf32, #tpu.memory_space<vmem>>, vector<1x16xf32>,
    %swap3A_431 = arith.constant 0 : i32
    %swap3A_432 = arith.index_cast %swap3A_431 : i32 to index
    %swap3A_433 = arith.constant 528 : index
    %swap3A_434 = tpu.vector_load %arg10[%swap3A_432, %swap3A_433] {strides = array<i32>} : memref<2x640xf32, #tpu.memory_space<vmem>>, vector<1x16xf32>,
    %swap3A_435 = vector.shape_cast %swap3A_434 : vector<1x16xf32> to vector<16xf32>
    %swap3A_436 = vector.shape_cast %broadcast_in_dim3A_1 : vector<16xf32> to vector<1x16xf32>
    tpu.vector_store %arg10[%swap3A_432, %swap3A_433], %swap3A_436 {strides = array<i32>} : memref<2x640xf32, #tpu.memory_space<vmem>>, vector<1x16xf32>,
    %swap3A_437 = arith.constant 1 : i32
    %swap3A_438 = arith.index_cast %swap3A_437 : i32 to index
    %swap3A_439 = arith.constant 528 : index
    %swap3A_440 = tpu.vector_load %arg10[%swap3A_438, %swap3A_439] {strides = array<i32>} : memref<2x640xf32, #tpu.memory_space<vmem>>, vector<1x16xf32>,
    %swap3A_441 = vector.shape_cast %swap3A_440 : vector<1x16xf32> to vector<16xf32>
    %swap3A_442 = vector.shape_cast %broadcast_in_dim3A_1 : vector<16xf32> to vector<1x16xf32>
    tpu.vector_store %arg10[%swap3A_438, %swap3A_439], %swap3A_442 {strides = array<i32>} : memref<2x640xf32, #tpu.memory_space<vmem>>, vector<1x16xf32>,
    %swap3A_443 = arith.constant 0 : i32
    %swap3A_444 = arith.index_cast %swap3A_443 : i32 to index
    %swap3A_445 = arith.constant 544 : index
    %swap3A_446 = tpu.vector_load %arg10[%swap3A_444, %swap3A_445] {strides = array<i32>} : memref<2x640xf32, #tpu.memory_space<vmem>>, vector<1x16xf32>,
    %swap3A_447 = vector.shape_cast %swap3A_446 : vector<1x16xf32> to vector<16xf32>
    %swap3A_448 = vector.shape_cast %broadcast_in_dim3A_1 : vector<16xf32> to vector<1x16xf32>
    tpu.vector_store %arg10[%swap3A_444, %swap3A_445], %swap3A_448 {strides = array<i32>} : memref<2x640xf32, #tpu.memory_space<vmem>>, vector<1x16xf32>,
    %swap3A_449 = arith.constant 1 : i32
    %swap3A_450 = arith.index_cast %swap3A_449 : i32 to index
    %swap3A_451 = arith.constant 544 : index
    %swap3A_452 = tpu.vector_load %arg10[%swap3A_450, %swap3A_451] {strides = array<i32>} : memref<2x640xf32, #tpu.memory_space<vmem>>, vector<1x16xf32>,
    %swap3A_453 = vector.shape_cast %swap3A_452 : vector<1x16xf32> to vector<16xf32>
    %swap3A_454 = vector.shape_cast %broadcast_in_dim3A_1 : vector<16xf32> to vector<1x16xf32>
    tpu.vector_store %arg10[%swap3A_450, %swap3A_451], %swap3A_454 {strides = array<i32>} : memref<2x640xf32, #tpu.memory_space<vmem>>, vector<1x16xf32>,
    %swap3A_455 = arith.constant 0 : i32
    %swap3A_456 = arith.index_cast %swap3A_455 : i32 to index
    %swap3A_457 = arith.constant 560 : index
    %swap3A_458 = tpu.vector_load %arg10[%swap3A_456, %swap3A_457] {strides = array<i32>} : memref<2x640xf32, #tpu.memory_space<vmem>>, vector<1x16xf32>,
    %swap3A_459 = vector.shape_cast %swap3A_458 : vector<1x16xf32> to vector<16xf32>
    %swap3A_460 = vector.shape_cast %broadcast_in_dim3A_1 : vector<16xf32> to vector<1x16xf32>
    tpu.vector_store %arg10[%swap3A_456, %swap3A_457], %swap3A_460 {strides = array<i32>} : memref<2x640xf32, #tpu.memory_space<vmem>>, vector<1x16xf32>,
    %swap3A_461 = arith.constant 1 : i32
    %swap3A_462 = arith.index_cast %swap3A_461 : i32 to index
    %swap3A_463 = arith.constant 560 : index
    %swap3A_464 = tpu.vector_load %arg10[%swap3A_462, %swap3A_463] {strides = array<i32>} : memref<2x640xf32, #tpu.memory_space<vmem>>, vector<1x16xf32>,
    %swap3A_465 = vector.shape_cast %swap3A_464 : vector<1x16xf32> to vector<16xf32>
    %swap3A_466 = vector.shape_cast %broadcast_in_dim3A_1 : vector<16xf32> to vector<1x16xf32>
    tpu.vector_store %arg10[%swap3A_462, %swap3A_463], %swap3A_466 {strides = array<i32>} : memref<2x640xf32, #tpu.memory_space<vmem>>, vector<1x16xf32>,
    %swap3A_467 = arith.constant 0 : i32
    %swap3A_468 = arith.index_cast %swap3A_467 : i32 to index
    %swap3A_469 = arith.constant 576 : index
    %swap3A_470 = tpu.vector_load %arg10[%swap3A_468, %swap3A_469] {strides = array<i32>} : memref<2x640xf32, #tpu.memory_space<vmem>>, vector<1x16xf32>,
    %swap3A_471 = vector.shape_cast %swap3A_470 : vector<1x16xf32> to vector<16xf32>
    %swap3A_472 = vector.shape_cast %broadcast_in_dim3A_1 : vector<16xf32> to vector<1x16xf32>
    tpu.vector_store %arg10[%swap3A_468, %swap3A_469], %swap3A_472 {strides = array<i32>} : memref<2x640xf32, #tpu.memory_space<vmem>>, vector<1x16xf32>,
    %swap3A_473 = arith.constant 1 : i32
    %swap3A_474 = arith.index_cast %swap3A_473 : i32 to index
    %swap3A_475 = arith.constant 576 : index
    %swap3A_476 = tpu.vector_load %arg10[%swap3A_474, %swap3A_475] {strides = array<i32>} : memref<2x640xf32, #tpu.memory_space<vmem>>, vector<1x16xf32>,
    %swap3A_477 = vector.shape_cast %swap3A_476 : vector<1x16xf32> to vector<16xf32>
    %swap3A_478 = vector.shape_cast %broadcast_in_dim3A_1 : vector<16xf32> to vector<1x16xf32>
    tpu.vector_store %arg10[%swap3A_474, %swap3A_475], %swap3A_478 {strides = array<i32>} : memref<2x640xf32, #tpu.memory_space<vmem>>, vector<1x16xf32>,
    %swap3A_479 = arith.constant 0 : i32
    %swap3A_480 = arith.index_cast %swap3A_479 : i32 to index
    %swap3A_481 = arith.constant 592 : index
    %swap3A_482 = tpu.vector_load %arg10[%swap3A_480, %swap3A_481] {strides = array<i32>} : memref<2x640xf32, #tpu.memory_space<vmem>>, vector<1x16xf32>,
    %swap3A_483 = vector.shape_cast %swap3A_482 : vector<1x16xf32> to vector<16xf32>
    %swap3A_484 = vector.shape_cast %broadcast_in_dim3A_1 : vector<16xf32> to vector<1x16xf32>
    tpu.vector_store %arg10[%swap3A_480, %swap3A_481], %swap3A_484 {strides = array<i32>} : memref<2x640xf32, #tpu.memory_space<vmem>>, vector<1x16xf32>,
    %swap3A_485 = arith.constant 1 : i32
    %swap3A_486 = arith.index_cast %swap3A_485 : i32 to index
    %swap3A_487 = arith.constant 592 : index
    %swap3A_488 = tpu.vector_load %arg10[%swap3A_486, %swap3A_487] {strides = array<i32>} : memref<2x640xf32, #tpu.memory_space<vmem>>, vector<1x16xf32>,
    %swap3A_489 = vector.shape_cast %swap3A_488 : vector<1x16xf32> to vector<16xf32>
    %swap3A_490 = vector.shape_cast %broadcast_in_dim3A_1 : vector<16xf32> to vector<1x16xf32>
    tpu.vector_store %arg10[%swap3A_486, %swap3A_487], %swap3A_490 {strides = array<i32>} : memref<2x640xf32, #tpu.memory_space<vmem>>, vector<1x16xf32>,
    %swap3A_491 = arith.constant 0 : i32
    %swap3A_492 = arith.index_cast %swap3A_491 : i32 to index
    %swap3A_493 = arith.constant 608 : index
    %swap3A_494 = tpu.vector_load %arg10[%swap3A_492, %swap3A_493] {strides = array<i32>} : memref<2x640xf32, #tpu.memory_space<vmem>>, vector<1x16xf32>,
    %swap3A_495 = vector.shape_cast %swap3A_494 : vector<1x16xf32> to vector<16xf32>
    %swap3A_496 = vector.shape_cast %broadcast_in_dim3A_1 : vector<16xf32> to vector<1x16xf32>
    tpu.vector_store %arg10[%swap3A_492, %swap3A_493], %swap3A_496 {strides = array<i32>} : memref<2x640xf32, #tpu.memory_space<vmem>>, vector<1x16xf32>,
    %swap3A_497 = arith.constant 1 : i32
    %swap3A_498 = arith.index_cast %swap3A_497 : i32 to index
    %swap3A_499 = arith.constant 608 : index
    %swap3A_500 = tpu.vector_load %arg10[%swap3A_498, %swap3A_499] {strides = array<i32>} : memref<2x640xf32, #tpu.memory_space<vmem>>, vector<1x16xf32>,
    %swap3A_501 = vector.shape_cast %swap3A_500 : vector<1x16xf32> to vector<16xf32>
    %swap3A_502 = vector.shape_cast %broadcast_in_dim3A_1 : vector<16xf32> to vector<1x16xf32>
    tpu.vector_store %arg10[%swap3A_498, %swap3A_499], %swap3A_502 {strides = array<i32>} : memref<2x640xf32, #tpu.memory_space<vmem>>, vector<1x16xf32>,
    %swap3A_503 = arith.constant 0 : i32
    %swap3A_504 = arith.index_cast %swap3A_503 : i32 to index
    %swap3A_505 = arith.constant 624 : index
    %swap3A_506 = tpu.vector_load %arg10[%swap3A_504, %swap3A_505] {strides = array<i32>} : memref<2x640xf32, #tpu.memory_space<vmem>>, vector<1x16xf32>,
    %swap3A_507 = vector.shape_cast %swap3A_506 : vector<1x16xf32> to vector<16xf32>
    %swap3A_508 = vector.shape_cast %broadcast_in_dim3A_1 : vector<16xf32> to vector<1x16xf32>
    tpu.vector_store %arg10[%swap3A_504, %swap3A_505], %swap3A_508 {strides = array<i32>} : memref<2x640xf32, #tpu.memory_space<vmem>>, vector<1x16xf32>,
    %swap3A_509 = arith.constant 1 : i32
    %swap3A_510 = arith.index_cast %swap3A_509 : i32 to index
    %swap3A_511 = arith.constant 624 : index
    %swap3A_512 = tpu.vector_load %arg10[%swap3A_510, %swap3A_511] {strides = array<i32>} : memref<2x640xf32, #tpu.memory_space<vmem>>, vector<1x16xf32>,
    %swap3A_513 = vector.shape_cast %swap3A_512 : vector<1x16xf32> to vector<16xf32>
    %swap3A_514 = vector.shape_cast %broadcast_in_dim3A_1 : vector<16xf32> to vector<1x16xf32>
    tpu.vector_store %arg10[%swap3A_510, %swap3A_511], %swap3A_514 {strides = array<i32>} : memref<2x640xf32, #tpu.memory_space<vmem>>, vector<1x16xf32>,
    %mul3A_515 = arith.constant 640 : i32
    %mul3A_516 = arith.muli %arg1, %mul3A_515 : i32
    %run_scoped3A = arith.constant 0 : i32
    "tpu.region"() ({
      %run_scoped3A_536 = tpu.sem_alloc : memref<!tpu.dma_semaphore, #tpu.memory_space<semaphore_mem>>
      %dma_start3A = arith.constant 0 : i32
      %dma_start3A_537 = tpu.memref_slice %arg10[%run_scoped3A, %dma_start3A] : memref<2x640xf32, #tpu.memory_space<vmem>> -> memref<1x640xf32, #tpu.memory_space<vmem>>
      %dma_start3A_538 = tpu.memref_squeeze %dma_start3A_537 : memref<1x640xf32, #tpu.memory_space<vmem>> -> memref<640xf32, #tpu.memory_space<vmem>>
      %dma_start3A_539 = tpu.memref_slice %arg5[%mul3A_516] : memref<10240xf32, #tpu.memory_space<vmem_shared>> -> memref<640xf32, #tpu.memory_space<vmem_shared>>
      %dma_start3A_540 = tpu.memref_slice %arg5[%mul3A_516] : memref<10240xf32, #tpu.memory_space<vmem_shared>> -> memref<640xf32, #tpu.memory_space<vmem_shared>>
      %dma_start3A_541 = arith.constant 0 : i32
      %dma_start3A_542 = tpu.memref_slice %arg10[%run_scoped3A, %dma_start3A_541] : memref<2x640xf32, #tpu.memory_space<vmem>> -> memref<1x640xf32, #tpu.memory_space<vmem>>
      %dma_start3A_543 = tpu.memref_squeeze %dma_start3A_542 : memref<1x640xf32, #tpu.memory_space<vmem>> -> memref<640xf32, #tpu.memory_space<vmem>>
      tpu.enqueue_dma source(%dma_start3A_543 : memref<640xf32, #tpu.memory_space<vmem>>) target(%dma_start3A_540 : memref<640xf32, #tpu.memory_space<vmem_shared>>) target_semaphore(%run_scoped3A_536 : memref<!tpu.dma_semaphore, #tpu.memory_space<semaphore_mem>>)
      %dma_wait3A = arith.constant 0 : i32
      %dma_wait3A_544 = tpu.memref_slice %arg10[%run_scoped3A, %dma_wait3A] : memref<2x640xf32, #tpu.memory_space<vmem>> -> memref<1x640xf32, #tpu.memory_space<vmem>>
      %dma_wait3A_545 = tpu.memref_squeeze %dma_wait3A_544 : memref<1x640xf32, #tpu.memory_space<vmem>> -> memref<640xf32, #tpu.memory_space<vmem>>
      %dma_wait3A_546 = tpu.memref_slice %arg5[%mul3A_516] : memref<10240xf32, #tpu.memory_space<vmem_shared>> -> memref<640xf32, #tpu.memory_space<vmem_shared>>
      %dma_wait3A_547 = tpu.memref_slice %arg5[%mul3A_516] : memref<10240xf32, #tpu.memory_space<vmem_shared>> -> memref<640xf32, #tpu.memory_space<vmem_shared>>
      %dma_wait3A_548 = arith.constant 0 : i32
      %dma_wait3A_549 = tpu.memref_slice %arg10[%run_scoped3A, %dma_wait3A_548] : memref<2x640xf32, #tpu.memory_space<vmem>> -> memref<1x640xf32, #tpu.memory_space<vmem>>
      %dma_wait3A_550 = tpu.memref_squeeze %dma_wait3A_549 : memref<1x640xf32, #tpu.memory_space<vmem>> -> memref<640xf32, #tpu.memory_space<vmem>>
      tpu.wait_dma2 semaphore(%run_scoped3A_536 : memref<!tpu.dma_semaphore, #tpu.memory_space<semaphore_mem>>) src(%dma_wait3A_550 : memref<640xf32, #tpu.memory_space<vmem>>) dst(%dma_wait3A_547 : memref<640xf32, #tpu.memory_space<vmem_shared>>)
      tpu.yield
    }) : () -> ()
    %mul3A_517 = arith.constant 640 : i32
    %mul3A_518 = arith.muli %arg1, %mul3A_517 : i32
    %run_scoped3A_519 = arith.constant 1 : i32
    "tpu.region"() ({
      %run_scoped3A_536 = tpu.sem_alloc : memref<!tpu.dma_semaphore, #tpu.memory_space<semaphore_mem>>
      %dma_start3A = arith.constant 0 : i32
      %dma_start3A_537 = tpu.memref_slice %arg10[%run_scoped3A_519, %dma_start3A] : memref<2x640xf32, #tpu.memory_space<vmem>> -> memref<1x640xf32, #tpu.memory_space<vmem>>
      %dma_start3A_538 = tpu.memref_squeeze %dma_start3A_537 : memref<1x640xf32, #tpu.memory_space<vmem>> -> memref<640xf32, #tpu.memory_space<vmem>>
      %dma_start3A_539 = tpu.memref_slice %arg6[%mul3A_518] : memref<10240xf32, #tpu.memory_space<vmem_shared>> -> memref<640xf32, #tpu.memory_space<vmem_shared>>
      %dma_start3A_540 = tpu.memref_slice %arg6[%mul3A_518] : memref<10240xf32, #tpu.memory_space<vmem_shared>> -> memref<640xf32, #tpu.memory_space<vmem_shared>>
      %dma_start3A_541 = arith.constant 0 : i32
      %dma_start3A_542 = tpu.memref_slice %arg10[%run_scoped3A_519, %dma_start3A_541] : memref<2x640xf32, #tpu.memory_space<vmem>> -> memref<1x640xf32, #tpu.memory_space<vmem>>
      %dma_start3A_543 = tpu.memref_squeeze %dma_start3A_542 : memref<1x640xf32, #tpu.memory_space<vmem>> -> memref<640xf32, #tpu.memory_space<vmem>>
      tpu.enqueue_dma source(%dma_start3A_543 : memref<640xf32, #tpu.memory_space<vmem>>) target(%dma_start3A_540 : memref<640xf32, #tpu.memory_space<vmem_shared>>) target_semaphore(%run_scoped3A_536 : memref<!tpu.dma_semaphore, #tpu.memory_space<semaphore_mem>>)
      %dma_wait3A = arith.constant 0 : i32
      %dma_wait3A_544 = tpu.memref_slice %arg10[%run_scoped3A_519, %dma_wait3A] : memref<2x640xf32, #tpu.memory_space<vmem>> -> memref<1x640xf32, #tpu.memory_space<vmem>>
      %dma_wait3A_545 = tpu.memref_squeeze %dma_wait3A_544 : memref<1x640xf32, #tpu.memory_space<vmem>> -> memref<640xf32, #tpu.memory_space<vmem>>
      %dma_wait3A_546 = tpu.memref_slice %arg6[%mul3A_518] : memref<10240xf32, #tpu.memory_space<vmem_shared>> -> memref<640xf32, #tpu.memory_space<vmem_shared>>
      %dma_wait3A_547 = tpu.memref_slice %arg6[%mul3A_518] : memref<10240xf32, #tpu.memory_space<vmem_shared>> -> memref<640xf32, #tpu.memory_space<vmem_shared>>
      %dma_wait3A_548 = arith.constant 0 : i32
      %dma_wait3A_549 = tpu.memref_slice %arg10[%run_scoped3A_519, %dma_wait3A_548] : memref<2x640xf32, #tpu.memory_space<vmem>> -> memref<1x640xf32, #tpu.memory_space<vmem>>
      %dma_wait3A_550 = tpu.memref_squeeze %dma_wait3A_549 : memref<1x640xf32, #tpu.memory_space<vmem>> -> memref<640xf32, #tpu.memory_space<vmem>>
      tpu.wait_dma2 semaphore(%run_scoped3A_536 : memref<!tpu.dma_semaphore, #tpu.memory_space<semaphore_mem>>) src(%dma_wait3A_550 : memref<640xf32, #tpu.memory_space<vmem>>) dst(%dma_wait3A_547 : memref<640xf32, #tpu.memory_space<vmem_shared>>)
      tpu.yield
    }) : () -> ()
    %barrier3A = arith.constant 0 : index
    tpu.barrier barrier_id(%barrier3A)
    %mul3A_520 = arith.constant 80 : i32
    %mul3A_521 = arith.muli %add3A, %mul3A_520 : i32
    "tpu.region"() ({
      %run_scoped3A_536 = tpu.sem_alloc : memref<!tpu.dma_semaphore, #tpu.memory_space<semaphore_mem>>
      %dma_start3A = arith.constant 0 : i32
      %dma_start3A_537 = tpu.memref_slice %arg2[%mul3A_521, %dma_start3A] : memref<2560x128xi32, #tpu.memory_space<hbm>> -> memref<80x128xi32, #tpu.memory_space<hbm>>
      %dma_start3A_538 = arith.constant 0 : i32
      %dma_start3A_539 = tpu.memref_slice %arg2[%mul3A_521, %dma_start3A_538] : memref<2560x128xi32, #tpu.memory_space<hbm>> -> memref<80x128xi32, #tpu.memory_space<hbm>>
      tpu.enqueue_dma source(%dma_start3A_539 : memref<80x128xi32, #tpu.memory_space<hbm>>) target(%arg7 : memref<80x128xi32, #tpu.memory_space<vmem>>) target_semaphore(%run_scoped3A_536 : memref<!tpu.dma_semaphore, #tpu.memory_space<semaphore_mem>>)
      %dma_wait3A = arith.constant 0 : i32
      %dma_wait3A_540 = tpu.memref_slice %arg2[%mul3A_521, %dma_wait3A] : memref<2560x128xi32, #tpu.memory_space<hbm>> -> memref<80x128xi32, #tpu.memory_space<hbm>>
      %dma_wait3A_541 = arith.constant 0 : i32
      %dma_wait3A_542 = tpu.memref_slice %arg2[%mul3A_521, %dma_wait3A_541] : memref<2560x128xi32, #tpu.memory_space<hbm>> -> memref<80x128xi32, #tpu.memory_space<hbm>>
      tpu.wait_dma2 semaphore(%run_scoped3A_536 : memref<!tpu.dma_semaphore, #tpu.memory_space<semaphore_mem>>) src(%dma_wait3A_542 : memref<80x128xi32, #tpu.memory_space<hbm>>) dst(%arg7 : memref<80x128xi32, #tpu.memory_space<vmem>>)
      tpu.yield
    }) : () -> ()
    %mul3A_522 = arith.constant 80 : i32
    %mul3A_523 = arith.muli %add3A, %mul3A_522 : i32
    "tpu.region"() ({
      %run_scoped3A_536 = tpu.sem_alloc : memref<!tpu.dma_semaphore, #tpu.memory_space<semaphore_mem>>
      %dma_start3A = arith.constant 0 : i32
      %dma_start3A_537 = tpu.memref_slice %arg3[%mul3A_523, %dma_start3A] : memref<2560x128xi32, #tpu.memory_space<hbm>> -> memref<80x128xi32, #tpu.memory_space<hbm>>
      %dma_start3A_538 = arith.constant 0 : i32
      %dma_start3A_539 = tpu.memref_slice %arg3[%mul3A_523, %dma_start3A_538] : memref<2560x128xi32, #tpu.memory_space<hbm>> -> memref<80x128xi32, #tpu.memory_space<hbm>>
      tpu.enqueue_dma source(%dma_start3A_539 : memref<80x128xi32, #tpu.memory_space<hbm>>) target(%arg8 : memref<80x128xi32, #tpu.memory_space<vmem>>) target_semaphore(%run_scoped3A_536 : memref<!tpu.dma_semaphore, #tpu.memory_space<semaphore_mem>>)
      %dma_wait3A = arith.constant 0 : i32
      %dma_wait3A_540 = tpu.memref_slice %arg3[%mul3A_523, %dma_wait3A] : memref<2560x128xi32, #tpu.memory_space<hbm>> -> memref<80x128xi32, #tpu.memory_space<hbm>>
      %dma_wait3A_541 = arith.constant 0 : i32
      %dma_wait3A_542 = tpu.memref_slice %arg3[%mul3A_523, %dma_wait3A_541] : memref<2560x128xi32, #tpu.memory_space<hbm>> -> memref<80x128xi32, #tpu.memory_space<hbm>>
      tpu.wait_dma2 semaphore(%run_scoped3A_536 : memref<!tpu.dma_semaphore, #tpu.memory_space<semaphore_mem>>) src(%dma_wait3A_542 : memref<80x128xi32, #tpu.memory_space<hbm>>) dst(%arg8 : memref<80x128xi32, #tpu.memory_space<vmem>>)
      tpu.yield
    }) : () -> ()
    %scan3A = arith.constant 0 : i32
    %scan3A_524 = arith.constant 0 : i32
    %scan3A_525 = arith.constant 40 : i32
    %scan3A_526 = arith.addi %scan3A_524, %scan3A_525 : i32
    %scan3A_527 = arith.constant 1 : i32
    scf.for %scan3A_536 = %scan3A_524 to %scan3A_526 step %scan3A_527  : i32 {
      %mul3A_537 = arith.constant 2 : i32
      %mul3A_538 = arith.muli %scan3A_536, %mul3A_537 : i32
      %dma_start3A = arith.constant 0 : i32
      %dma_start3A_539 = tpu.memref_slice %arg7[%mul3A_538, %dma_start3A] : memref<80x128xi32, #tpu.memory_space<vmem>> -> memref<1x128xi32, #tpu.memory_space<vmem>>
      %dma_start3A_540 = tpu.memref_squeeze %dma_start3A_539 : memref<1x128xi32, #tpu.memory_space<vmem>> -> memref<128xi32, #tpu.memory_space<vmem>>
      %dma_start3A_541 = arith.constant 0 : i32
      %dma_start3A_542 = tpu.memref_slice %arg5[%dma_start3A_541] : memref<10240xf32, #tpu.memory_space<vmem_shared>> -> memref<10240xf32, #tpu.memory_space<vmem_shared>>
      tpu.enqueue_indirect_dma source(%arg9 : memref<128xf32, #tpu.memory_space<vmem>>) target(%dma_start3A_542 : memref<10240xf32, #tpu.memory_space<vmem_shared>>) offsets(%dma_start3A_540 : memref<128xi32, #tpu.memory_space<vmem>>) semaphore(%arg11 : memref<!tpu.dma_semaphore, #tpu.memory_space<semaphore_mem>>) {add = true}
      %dma_start3A_543 = arith.constant 0 : i32
      %dma_start3A_544 = tpu.memref_slice %arg8[%mul3A_538, %dma_start3A_543] : memref<80x128xi32, #tpu.memory_space<vmem>> -> memref<1x128xi32, #tpu.memory_space<vmem>>
      %dma_start3A_545 = tpu.memref_squeeze %dma_start3A_544 : memref<1x128xi32, #tpu.memory_space<vmem>> -> memref<128xi32, #tpu.memory_space<vmem>>
      %dma_start3A_546 = arith.constant 0 : i32
      %dma_start3A_547 = tpu.memref_slice %arg6[%dma_start3A_546] : memref<10240xf32, #tpu.memory_space<vmem_shared>> -> memref<10240xf32, #tpu.memory_space<vmem_shared>>
      tpu.enqueue_indirect_dma source(%arg9 : memref<128xf32, #tpu.memory_space<vmem>>) target(%dma_start3A_547 : memref<10240xf32, #tpu.memory_space<vmem_shared>>) offsets(%dma_start3A_545 : memref<128xi32, #tpu.memory_space<vmem>>) semaphore(%arg11 : memref<!tpu.dma_semaphore, #tpu.memory_space<semaphore_mem>>) {add = true}
      %add3A_548 = arith.constant 1 : i32
      %add3A_549 = arith.addi %mul3A_538, %add3A_548 : i32
      %dma_start3A_550 = arith.constant 0 : i32
      %dma_start3A_551 = tpu.memref_slice %arg7[%add3A_549, %dma_start3A_550] : memref<80x128xi32, #tpu.memory_space<vmem>> -> memref<1x128xi32, #tpu.memory_space<vmem>>
      %dma_start3A_552 = tpu.memref_squeeze %dma_start3A_551 : memref<1x128xi32, #tpu.memory_space<vmem>> -> memref<128xi32, #tpu.memory_space<vmem>>
      %dma_start3A_553 = arith.constant 0 : i32
      %dma_start3A_554 = tpu.memref_slice %arg5[%dma_start3A_553] : memref<10240xf32, #tpu.memory_space<vmem_shared>> -> memref<10240xf32, #tpu.memory_space<vmem_shared>>
      tpu.enqueue_indirect_dma source(%arg9 : memref<128xf32, #tpu.memory_space<vmem>>) target(%dma_start3A_554 : memref<10240xf32, #tpu.memory_space<vmem_shared>>) offsets(%dma_start3A_552 : memref<128xi32, #tpu.memory_space<vmem>>) semaphore(%arg11 : memref<!tpu.dma_semaphore, #tpu.memory_space<semaphore_mem>>) {add = true}
      %add3A_555 = arith.constant 1 : i32
      %add3A_556 = arith.addi %mul3A_538, %add3A_555 : i32
      %dma_start3A_557 = arith.constant 0 : i32
      %dma_start3A_558 = tpu.memref_slice %arg8[%add3A_556, %dma_start3A_557] : memref<80x128xi32, #tpu.memory_space<vmem>> -> memref<1x128xi32, #tpu.memory_space<vmem>>
      %dma_start3A_559 = tpu.memref_squeeze %dma_start3A_558 : memref<1x128xi32, #tpu.memory_space<vmem>> -> memref<128xi32, #tpu.memory_space<vmem>>
      %dma_start3A_560 = arith.constant 0 : i32
      %dma_start3A_561 = tpu.memref_slice %arg6[%dma_start3A_560] : memref<10240xf32, #tpu.memory_space<vmem_shared>> -> memref<10240xf32, #tpu.memory_space<vmem_shared>>
      tpu.enqueue_indirect_dma source(%arg9 : memref<128xf32, #tpu.memory_space<vmem>>) target(%dma_start3A_561 : memref<10240xf32, #tpu.memory_space<vmem_shared>>) offsets(%dma_start3A_559 : memref<128xi32, #tpu.memory_space<vmem>>) semaphore(%arg11 : memref<!tpu.dma_semaphore, #tpu.memory_space<semaphore_mem>>) {add = true}
      %dma_wait3A = arith.constant 0 : i32
      %dma_wait3A_562 = tpu.memref_slice %arg7[%mul3A_538, %dma_wait3A] : memref<80x128xi32, #tpu.memory_space<vmem>> -> memref<1x128xi32, #tpu.memory_space<vmem>>
      %dma_wait3A_563 = tpu.memref_squeeze %dma_wait3A_562 : memref<1x128xi32, #tpu.memory_space<vmem>> -> memref<128xi32, #tpu.memory_space<vmem>>
      %dma_wait3A_564 = arith.constant 0 : i32
      %dma_wait3A_565 = tpu.memref_slice %arg5[%dma_wait3A_564] : memref<10240xf32, #tpu.memory_space<vmem_shared>> -> memref<10240xf32, #tpu.memory_space<vmem_shared>>
      tpu.wait_indirect_dma semaphore(%arg11 : memref<!tpu.dma_semaphore, #tpu.memory_space<semaphore_mem>>) src(%arg9 : memref<128xf32, #tpu.memory_space<vmem>>) dst(%dma_wait3A_565 : memref<10240xf32, #tpu.memory_space<vmem_shared>>)
      %dma_wait3A_566 = arith.constant 0 : i32
      %dma_wait3A_567 = tpu.memref_slice %arg8[%mul3A_538, %dma_wait3A_566] : memref<80x128xi32, #tpu.memory_space<vmem>> -> memref<1x128xi32, #tpu.memory_space<vmem>>
      %dma_wait3A_568 = tpu.memref_squeeze %dma_wait3A_567 : memref<1x128xi32, #tpu.memory_space<vmem>> -> memref<128xi32, #tpu.memory_space<vmem>>
      %dma_wait3A_569 = arith.constant 0 : i32
      %dma_wait3A_570 = tpu.memref_slice %arg6[%dma_wait3A_569] : memref<10240xf32, #tpu.memory_space<vmem_shared>> -> memref<10240xf32, #tpu.memory_space<vmem_shared>>
      tpu.wait_indirect_dma semaphore(%arg11 : memref<!tpu.dma_semaphore, #tpu.memory_space<semaphore_mem>>) src(%arg9 : memref<128xf32, #tpu.memory_space<vmem>>) dst(%dma_wait3A_570 : memref<10240xf32, #tpu.memory_space<vmem_shared>>)
      %dma_wait3A_571 = arith.constant 0 : i32
      %dma_wait3A_572 = tpu.memref_slice %arg7[%add3A_549, %dma_wait3A_571] : memref<80x128xi32, #tpu.memory_space<vmem>> -> memref<1x128xi32, #tpu.memory_space<vmem>>
      %dma_wait3A_573 = tpu.memref_squeeze %dma_wait3A_572 : memref<1x128xi32, #tpu.memory_space<vmem>> -> memref<128xi32, #tpu.memory_space<vmem>>
      %dma_wait3A_574 = arith.constant 0 : i32
      %dma_wait3A_575 = tpu.memref_slice %arg5[%dma_wait3A_574] : memref<10240xf32, #tpu.memory_space<vmem_shared>> -> memref<10240xf32, #tpu.memory_space<vmem_shared>>
      tpu.wait_indirect_dma semaphore(%arg11 : memref<!tpu.dma_semaphore, #tpu.memory_space<semaphore_mem>>) src(%arg9 : memref<128xf32, #tpu.memory_space<vmem>>) dst(%dma_wait3A_575 : memref<10240xf32, #tpu.memory_space<vmem_shared>>)
      %dma_wait3A_576 = arith.constant 0 : i32
      %dma_wait3A_577 = tpu.memref_slice %arg8[%add3A_556, %dma_wait3A_576] : memref<80x128xi32, #tpu.memory_space<vmem>> -> memref<1x128xi32, #tpu.memory_space<vmem>>
      %dma_wait3A_578 = tpu.memref_squeeze %dma_wait3A_577 : memref<1x128xi32, #tpu.memory_space<vmem>> -> memref<128xi32, #tpu.memory_space<vmem>>
      %dma_wait3A_579 = arith.constant 0 : i32
      %dma_wait3A_580 = tpu.memref_slice %arg6[%dma_wait3A_579] : memref<10240xf32, #tpu.memory_space<vmem_shared>> -> memref<10240xf32, #tpu.memory_space<vmem_shared>>
      tpu.wait_indirect_dma semaphore(%arg11 : memref<!tpu.dma_semaphore, #tpu.memory_space<semaphore_mem>>) src(%arg9 : memref<128xf32, #tpu.memory_space<vmem>>) dst(%dma_wait3A_580 : memref<10240xf32, #tpu.memory_space<vmem_shared>>)
    }
    %scan3A_528 = arith.constant 40 : i32
    %barrier3A_529 = arith.constant 0 : index
    tpu.barrier barrier_id(%barrier3A_529)
    %mul3A_530 = arith.constant 640 : i32
    %mul3A_531 = arith.muli %arg1, %mul3A_530 : i32
    %run_scoped3A_532 = arith.constant 0 : i32
    "tpu.region"() ({
      %run_scoped3A_536 = tpu.sem_alloc : memref<!tpu.dma_semaphore, #tpu.memory_space<semaphore_mem>>
      %dma_start3A = arith.constant 0 : i32
      %dma_start3A_537 = tpu.memref_slice %arg10[%run_scoped3A_532, %dma_start3A] : memref<2x640xf32, #tpu.memory_space<vmem>> -> memref<1x640xf32, #tpu.memory_space<vmem>>
      %dma_start3A_538 = tpu.memref_squeeze %dma_start3A_537 : memref<1x640xf32, #tpu.memory_space<vmem>> -> memref<640xf32, #tpu.memory_space<vmem>>
      %dma_start3A_539 = tpu.memref_slice %arg5[%mul3A_531] : memref<10240xf32, #tpu.memory_space<vmem_shared>> -> memref<640xf32, #tpu.memory_space<vmem_shared>>
      %dma_start3A_540 = arith.constant 0 : i32
      %dma_start3A_541 = tpu.memref_slice %arg10[%run_scoped3A_532, %dma_start3A_540] : memref<2x640xf32, #tpu.memory_space<vmem>> -> memref<1x640xf32, #tpu.memory_space<vmem>>
      %dma_start3A_542 = tpu.memref_squeeze %dma_start3A_541 : memref<1x640xf32, #tpu.memory_space<vmem>> -> memref<640xf32, #tpu.memory_space<vmem>>
      %dma_start3A_543 = tpu.memref_slice %arg5[%mul3A_531] : memref<10240xf32, #tpu.memory_space<vmem_shared>> -> memref<640xf32, #tpu.memory_space<vmem_shared>>
      tpu.enqueue_dma source(%dma_start3A_543 : memref<640xf32, #tpu.memory_space<vmem_shared>>) target(%dma_start3A_542 : memref<640xf32, #tpu.memory_space<vmem>>) target_semaphore(%run_scoped3A_536 : memref<!tpu.dma_semaphore, #tpu.memory_space<semaphore_mem>>)
      %dma_wait3A = arith.constant 0 : i32
      %dma_wait3A_544 = tpu.memref_slice %arg10[%run_scoped3A_532, %dma_wait3A] : memref<2x640xf32, #tpu.memory_space<vmem>> -> memref<1x640xf32, #tpu.memory_space<vmem>>
      %dma_wait3A_545 = tpu.memref_squeeze %dma_wait3A_544 : memref<1x640xf32, #tpu.memory_space<vmem>> -> memref<640xf32, #tpu.memory_space<vmem>>
      %dma_wait3A_546 = tpu.memref_slice %arg5[%mul3A_531] : memref<10240xf32, #tpu.memory_space<vmem_shared>> -> memref<640xf32, #tpu.memory_space<vmem_shared>>
      %dma_wait3A_547 = arith.constant 0 : i32
      %dma_wait3A_548 = tpu.memref_slice %arg10[%run_scoped3A_532, %dma_wait3A_547] : memref<2x640xf32, #tpu.memory_space<vmem>> -> memref<1x640xf32, #tpu.memory_space<vmem>>
      %dma_wait3A_549 = tpu.memref_squeeze %dma_wait3A_548 : memref<1x640xf32, #tpu.memory_space<vmem>> -> memref<640xf32, #tpu.memory_space<vmem>>
      %dma_wait3A_550 = tpu.memref_slice %arg5[%mul3A_531] : memref<10240xf32, #tpu.memory_space<vmem_shared>> -> memref<640xf32, #tpu.memory_space<vmem_shared>>
      tpu.wait_dma2 semaphore(%run_scoped3A_536 : memref<!tpu.dma_semaphore, #tpu.memory_space<semaphore_mem>>) src(%dma_wait3A_550 : memref<640xf32, #tpu.memory_space<vmem_shared>>) dst(%dma_wait3A_549 : memref<640xf32, #tpu.memory_space<vmem>>)
      tpu.yield
    }) : () -> ()
    %mul3A_533 = arith.constant 640 : i32
    %mul3A_534 = arith.muli %arg1, %mul3A_533 : i32
    %run_scoped3A_535 = arith.constant 1 : i32
    "tpu.region"() ({
      %run_scoped3A_536 = tpu.sem_alloc : memref<!tpu.dma_semaphore, #tpu.memory_space<semaphore_mem>>
      %dma_start3A = arith.constant 0 : i32
      %dma_start3A_537 = tpu.memref_slice %arg10[%run_scoped3A_535, %dma_start3A] : memref<2x640xf32, #tpu.memory_space<vmem>> -> memref<1x640xf32, #tpu.memory_space<vmem>>
      %dma_start3A_538 = tpu.memref_squeeze %dma_start3A_537 : memref<1x640xf32, #tpu.memory_space<vmem>> -> memref<640xf32, #tpu.memory_space<vmem>>
      %dma_start3A_539 = tpu.memref_slice %arg6[%mul3A_534] : memref<10240xf32, #tpu.memory_space<vmem_shared>> -> memref<640xf32, #tpu.memory_space<vmem_shared>>
      %dma_start3A_540 = arith.constant 0 : i32
      %dma_start3A_541 = tpu.memref_slice %arg10[%run_scoped3A_535, %dma_start3A_540] : memref<2x640xf32, #tpu.memory_space<vmem>> -> memref<1x640xf32, #tpu.memory_space<vmem>>
      %dma_start3A_542 = tpu.memref_squeeze %dma_start3A_541 : memref<1x640xf32, #tpu.memory_space<vmem>> -> memref<640xf32, #tpu.memory_space<vmem>>
      %dma_start3A_543 = tpu.memref_slice %arg6[%mul3A_534] : memref<10240xf32, #tpu.memory_space<vmem_shared>> -> memref<640xf32, #tpu.memory_space<vmem_shared>>
      tpu.enqueue_dma source(%dma_start3A_543 : memref<640xf32, #tpu.memory_space<vmem_shared>>) target(%dma_start3A_542 : memref<640xf32, #tpu.memory_space<vmem>>) target_semaphore(%run_scoped3A_536 : memref<!tpu.dma_semaphore, #tpu.memory_space<semaphore_mem>>)
      %dma_wait3A = arith.constant 0 : i32
      %dma_wait3A_544 = tpu.memref_slice %arg10[%run_scoped3A_535, %dma_wait3A] : memref<2x640xf32, #tpu.memory_space<vmem>> -> memref<1x640xf32, #tpu.memory_space<vmem>>
      %dma_wait3A_545 = tpu.memref_squeeze %dma_wait3A_544 : memref<1x640xf32, #tpu.memory_space<vmem>> -> memref<640xf32, #tpu.memory_space<vmem>>
      %dma_wait3A_546 = tpu.memref_slice %arg6[%mul3A_534] : memref<10240xf32, #tpu.memory_space<vmem_shared>> -> memref<640xf32, #tpu.memory_space<vmem_shared>>
      %dma_wait3A_547 = arith.constant 0 : i32
      %dma_wait3A_548 = tpu.memref_slice %arg10[%run_scoped3A_535, %dma_wait3A_547] : memref<2x640xf32, #tpu.memory_space<vmem>> -> memref<1x640xf32, #tpu.memory_space<vmem>>
      %dma_wait3A_549 = tpu.memref_squeeze %dma_wait3A_548 : memref<1x640xf32, #tpu.memory_space<vmem>> -> memref<640xf32, #tpu.memory_space<vmem>>
      %dma_wait3A_550 = tpu.memref_slice %arg6[%mul3A_534] : memref<10240xf32, #tpu.memory_space<vmem_shared>> -> memref<640xf32, #tpu.memory_space<vmem_shared>>
      tpu.wait_dma2 semaphore(%run_scoped3A_536 : memref<!tpu.dma_semaphore, #tpu.memory_space<semaphore_mem>>) src(%dma_wait3A_550 : memref<640xf32, #tpu.memory_space<vmem_shared>>) dst(%dma_wait3A_549 : memref<640xf32, #tpu.memory_space<vmem>>)
      tpu.yield
    }) : () -> ()
    "tpu.region"() ({
      %run_scoped3A_536 = tpu.sem_alloc : memref<!tpu.dma_semaphore, #tpu.memory_space<semaphore_mem>>
      %dma_start3A = arith.constant 0 : i32
      %dma_start3A_537 = arith.constant 0 : i32
      %dma_start3A_538 = tpu.memref_slice %arg4[%add3A, %dma_start3A, %dma_start3A_537] : memref<32x2x640xf32, #tpu.memory_space<hbm>> -> memref<1x2x640xf32, #tpu.memory_space<hbm>>
      %dma_start3A_539 = tpu.memref_squeeze %dma_start3A_538 : memref<1x2x640xf32, #tpu.memory_space<hbm>> -> memref<2x640xf32, #tpu.memory_space<hbm>>
      %dma_start3A_540 = arith.constant 0 : i32
      %dma_start3A_541 = arith.constant 0 : i32
      %dma_start3A_542 = tpu.memref_slice %arg4[%add3A, %dma_start3A_540, %dma_start3A_541] : memref<32x2x640xf32, #tpu.memory_space<hbm>> -> memref<1x2x640xf32, #tpu.memory_space<hbm>>
      %dma_start3A_543 = tpu.memref_squeeze %dma_start3A_542 : memref<1x2x640xf32, #tpu.memory_space<hbm>> -> memref<2x640xf32, #tpu.memory_space<hbm>>
      tpu.enqueue_dma source(%arg10 : memref<2x640xf32, #tpu.memory_space<vmem>>) target(%dma_start3A_543 : memref<2x640xf32, #tpu.memory_space<hbm>>) target_semaphore(%run_scoped3A_536 : memref<!tpu.dma_semaphore, #tpu.memory_space<semaphore_mem>>)
      %dma_wait3A = arith.constant 0 : i32
      %dma_wait3A_544 = arith.constant 0 : i32
      %dma_wait3A_545 = tpu.memref_slice %arg4[%add3A, %dma_wait3A, %dma_wait3A_544] : memref<32x2x640xf32, #tpu.memory_space<hbm>> -> memref<1x2x640xf32, #tpu.memory_space<hbm>>
      %dma_wait3A_546 = tpu.memref_squeeze %dma_wait3A_545 : memref<1x2x640xf32, #tpu.memory_space<hbm>> -> memref<2x640xf32, #tpu.memory_space<hbm>>
      %dma_wait3A_547 = arith.constant 0 : i32
      %dma_wait3A_548 = arith.constant 0 : i32
      %dma_wait3A_549 = tpu.memref_slice %arg4[%add3A, %dma_wait3A_547, %dma_wait3A_548] : memref<32x2x640xf32, #tpu.memory_space<hbm>> -> memref<1x2x640xf32, #tpu.memory_space<hbm>>
      %dma_wait3A_550 = tpu.memref_squeeze %dma_wait3A_549 : memref<1x2x640xf32, #tpu.memory_space<hbm>> -> memref<2x640xf32, #tpu.memory_space<hbm>>
      tpu.wait_dma2 semaphore(%run_scoped3A_536 : memref<!tpu.dma_semaphore, #tpu.memory_space<semaphore_mem>>) src(%arg10 : memref<2x640xf32, #tpu.memory_space<vmem>>) dst(%dma_wait3A_550 : memref<2x640xf32, #tpu.memory_space<hbm>>)
      tpu.yield
    }) : () -> ()
    return
  }
}

</mosaic_0001>

<sc_bundles>
// kernel: _deg_call.3.cloned.1.call-start
scs
__scs_entry_jumppad:
0x0: {  	(pc) =	sbr.rel $0x88, $3  }
0x1: {  	(tag) =	ssettag $0x0;
	lr =	simm.s32 $0x1  }
0x2: {  	[smem:$0x3F9F] =	sst lr;
	_ =	strace $0xD0000000  }
0x3: {  	_ = 	snop  }
0x4: {  	_ = 	snop  }
0x5: {  	_ = 	snop  }
0x6: {  	_ = 	snop  }
0x7: {  	_ = 	snop  }
__scs_overlays_trampoline_lowered:
0x8: {  	[smem:$0x3FAE] =	sst s0  }
0x9: {  	[smem:$0x3FAF] =	sst s1  }
0xa: {  	[smem:$0x3FB0] =	sst s2  }
0xb: {  	[smem:$0x3FB1] =	sst s3  }
0xc: {  	[smem:$0x3FB2] =	sst s4  }
0xd: {  	[smem:$0x3FB3] =	sst s5  }
0xe: {  	[smem:$0x3FB4] =	sst s6  }
0xf: {  	[smem:$0x3FB5] =	sst s7  }
0x10: {  	[smem:$0x3FB6] =	sst s8  }
0x11: {  	[smem:$0x3FB7] =	sst s9;
	s0 =	simm.s32 @!p0 $0x0  }
0x12: {  	s1 =	sld [smem:$0x3F9D];
	s0 =	simm.s32 @p0 $0x1  }
0x13: {  	[smem:$0x3FB8] =	sst s0;
	s0 =	simm.s32 @!p1 $0x0  }
0x14: {  	s2 =	sld [smem:$0x3F9C];
	s0 =	simm.s32 @p1 $0x1  }
0x15: {  	[smem:$0x3FB9] =	sst s0;
	s0 =	simm.s32 @!p2 $0x0  }
0x16: {  	s3 =	sld [smem:$0x3FDB];
	s0 =	simm.s32 @p2 $0x1  }
0x17: {  	s4 =	simm.s32 $0x1BF5;
	[smem:$0x3FBB] =	sst s0  }
0x18: {  	s0 =	sld [smem:$0x3F9E];
	_ =	swait.ge [sflag:s4], $0x0  }
0x19: {  	s7 =	sld [smem:$0x3F9F]  }
0x1a: {  	s8 =	sadd.s32 $0xFFFFE003, lr  }
0x1b: {  	s9 =	sadd.s32 $0xFFFFFEF7, lr;
	s5 =	simm.s32 $0xFFFFFFFF;
	p2 =	slt.u32 s8, $0xFFFFF086  }
0x1c: {  	p1 =	slt.u32 s9, $0xF7A;
	s5 =	simm.s32 @!p2 $0x0  }
0x1d: {  	s5 =	simm.s32 @p1 $0x1;
	p0 =	seq.s32 s7, s2  }
0x1e: {  	s7 =	smul.u32 @!p0 $0xF7A, s2;
	p2 =	seq.s32 @!p0 s5, $0x0  }
0x1f: {  	s9 =	smul.u32 $0xF7A, s1;
	s8 =	simm.s32 @!p0 $0x1BF5;
	p2 =	por !p2, p0  }
0x20: {  	[sflag:s8] =	ssyncset.s32 @!p0 $0xFFFFF086;
	s6 =	sadd.s32 @!p0 s3, s7;
	s7 =	simm.s32 @!p0 $0x108  }
0x21: {  	s3 =	sadd.s32 s3, s9;
	s6 =	sadd.s32 @!p0 $0x88, s6;
	s7 =	simm.s32 @p2 $0x1082  }
0x22: {  	[simem:s7], [sflag:s8] =	dma.local @!p0 [hbm:s6], $0xF7A  }
0x23: {  	s9 =	sor.u32 $0xD0000000, s2;
	s6 =	simm.s32 $0x108;
	_ =	swait.ge @!p0 [sflag:s8], $0x0  }
0x24: {  	s3 =	sadd.s32 $0x88, s3;
	s6 =	simm.s32 @!p1 $0x1082;
	[sflag:s4] =	ssyncset.s32 $0xFFFFF086  }
0x25: {  	[simem:s6], [sflag:s4] =	dma.local [hbm:s3], $0xF7A  }
0x26: {  	[smem:$0x3F9F] =	sst s1;
	(tag) =	ssettag s2;
	_ =	strace s9  }
0x27: {  	s1 =	sld [smem:$0x3FAF]  }
0x28: {  	s2 =	sld [smem:$0x3FB0]  }
0x29: {  	s4 =	sld [smem:$0x3FB2]  }
0x2a: {  	p0 =	seq.s32 s5, $0x0;
	s5 =	sld [smem:$0x3FB3]  }
0x2b: {  	s6 =	sld [smem:$0x3FB4]  }
0x2c: {  	s7 =	sld [smem:$0x3FB5]  }
0x2d: {  	s3 =	simm.s32 $0x108;
	s8 =	sld [smem:$0x3FB6]  }
0x2e: {  	s3 =	simm.s32 @!p0 $0x1082;
	s9 =	sld [smem:$0x3FB7]  }
0x2f: {  	lr =	sadd.s32 s0, s3;
	s0 =	sld [smem:$0x3FAE]  }
0x30: {  	s3 =	sld [smem:$0x3FB1]  }
0x31: {  	[smem:$0x3FBA] =	sst s10  }
0x32: {  	s10 =	sld [smem:$0x3FB8];
	_ =	sdelay $0x3  }
0x33: {  	p0 =	seq.s32 s10, $0x1;
	s10 =	sld [smem:$0x3FBA];
	_ =	sdelay $0x3  }
0x34: {  	[smem:$0x3FBA] =	sst s10  }
0x35: {  	s10 =	sld [smem:$0x3FB9];
	_ =	sdelay $0x3  }
0x36: {  	p1 =	seq.s32 s10, $0x1;
	s10 =	sld [smem:$0x3FBA];
	_ =	sdelay $0x3  }
0x37: {  	[smem:$0x3FBA] =	sst s10  }
0x38: {  	s10 =	sld [smem:$0x3FBB]  }
0x39: {  	_ = 	snop;
	(pc) =	sbr.ind lr, $3  }
0x3a: {  	_ = 	snop  }
0x3b: {  	_ = 	snop  }
0x3c: {  	p2 =	seq.s32 s10, $0x1;
	s10 =	sld [smem:$0x3FBA]  }
0x3d: {  	_ =	shalt  }
0x3e: {  	_ =	shalt  }
0x3f: {  	_ =	shalt  }
0x40: {  	_ =	shalt  }
0x41: {  	_ =	shalt  }
0x42: {  	_ =	shalt  }
0x43: {  	_ =	shalt  }
0x44: {  	_ =	shalt  }
0x45: {  	_ =	shalt  }
0x46: {  	_ =	shalt  }
0x47: {  	_ =	shalt  }
0x48: {  	_ =	shalt  }
0x49: {  	_ =	shalt  }
0x4a: {  	_ =	shalt  }
0x4b: {  	_ =	shalt  }
0x4c: {  	_ =	shalt  }
0x4d: {  	_ =	shalt  }
0x4e: {  	_ =	shalt  }
0x4f: {  	_ =	shalt  }
0x50: {  	_ =	shalt  }
0x51: {  	_ =	shalt  }
0x52: {  	_ =	shalt  }
0x53: {  	_ =	shalt  }
0x54: {  	_ =	shalt  }
0x55: {  	_ =	shalt  }
0x56: {  	_ =	shalt  }
0x57: {  	_ =	shalt  }
0x58: {  	_ =	shalt  }
0x59: {  	_ =	shalt  }
0x5a: {  	_ =	shalt  }
0x5b: {  	_ =	shalt  }
0x5c: {  	_ =	shalt  }
0x5d: {  	_ =	shalt  }
0x5e: {  	_ =	shalt  }
0x5f: {  	_ =	shalt  }
0x60: {  	_ =	shalt  }
0x61: {  	_ =	shalt  }
0x62: {  	_ =	shalt  }
0x63: {  	_ =	shalt  }
0x64: {  	_ =	shalt  }
0x65: {  	_ =	shalt  }
0x66: {  	_ =	shalt  }
0x67: {  	_ =	shalt  }
0x68: {  	_ =	shalt  }
0x69: {  	_ =	shalt  }
0x6a: {  	_ =	shalt  }
0x6b: {  	_ =	shalt  }
0x6c: {  	_ =	shalt  }
0x6d: {  	_ =	shalt  }
0x6e: {  	_ =	shalt  }
0x6f: {  	_ =	shalt  }
0x70: {  	_ =	shalt  }
0x71: {  	_ =	shalt  }
0x72: {  	_ =	shalt  }
0x73: {  	_ =	shalt  }
0x74: {  	_ =	shalt  }
0x75: {  	_ =	shalt  }
0x76: {  	_ =	shalt  }
0x77: {  	_ =	shalt  }
0x78: {  	_ =	shalt  }
0x79: {  	_ =	shalt  }
0x7a: {  	_ =	shalt  }
0x7b: {  	_ =	shalt  }
0x7c: {  	_ =	shalt  }
0x7d: {  	_ =	shalt  }
0x7e: {  	_ =	shalt  }
0x7f: {  	_ =	shalt  }
0x80: {  	_ =	shalt  }
0x81: {  	_ =	shalt  }
0x82: {  	_ =	shalt  }
0x83: {  	_ =	shalt  }
0x84: {  	_ =	shalt  }
0x85: {  	_ =	shalt  }
0x86: {  	_ =	shalt  }
0x87: {  	_ =	shalt  }
.Lfunc_end0:
.L_simem_size_0:
called_computation_lowered:
.L_overlay_start_0:
0x88: {  	s2 =	sld [smem:$0x3FD9]  }
0x89: {  	s3 =	sld [smem:$0x3FFE];
	_ =	sdelay $0x1  }
0x8a: {  	s1 =	srdreg.scid  }
0x8b: {  	s0 =	sand.u32 $0x1, s1  }
0x8c: {  	s18 =	sshll.u32 s0, $0xA;
	s2 =	sadd.s32 s3, s2  }
0x8d: {  	s2 =	sadd.s32 s2, s18  }
0x8e: {  	[smem:$0x3FC6] =	sst s2  }
0x8f: {  	_ = 	snop  }
0x90: {  	s2 =	sld [smem:$0x3FC9]  }
0x91: {  	s19 =	sld [smem:$0x3FC8]  }
0x92: {  	s4 =	sld [smem:$0x3FD0];
	(tm) =	ssettm $0x1  }
0x93: {  	s5 =	sld [smem:$0x3FFB];
	_ =	sdelay $0x3  }
0x94: {  	_ =	strace s5  }
0x95: {  	s5 =	sld [smem:$0x3FFC];
	_ =	sdelay $0x3  }
0x96: {  	_ =	strace s5  }
0x97: {  	s5 =	sld [smem:$0x3FFD];
	_ =	sdelay $0x3  }
0x98: {  	_ =	strace s5  }
0x99: {  	_ =	strace $0x8FFFFFFF  }
0x9a: {  	s20 =	sld [smem:$0x3FDB];
	_ =	sdelay $0x1  }
0x9b: {  	s6 =	simm.s32 $_scs_section_size  }
0x9c: {  	s7 =	simm.s32 $_size__tile_overlayer_lowered;
	s8 =	simm.s32 $_tile_overlayer_lowered  }
0x9d: {  	s23 =	simm.s32 $0x1BFF;
	s22 =	sshll.u32 s8, $0x1;
	s5 =	sadd.s32 s6, s20  }
0x9e: {  	s9 =	simm.s32 $0x0;
	s21 =	sshll.u32 s7, $0x1;
	s7 =	sadd.s32 s22, s5  }
0x9f: {  	[timem:s9], [sflag:s23] =	dma.local [hbm:s7], s21  }
0xa0: {  	_ =	swait.ge [sflag:s23], s21  }
0xa1: {  	s6 =	ssub.s32 $0x0, s21;
	[sflag:s23] =	ssyncset.done $0x0  }
0xa2: {  	[sflag:s23] =	ssyncadd.s32 s6;
	_ =	sdelay $0x1  }
0xa3: {  	s24 =	simm.s32 $0x1B8B  }
0xa4: {  	_ =	swait.ge [sflag:s24], $0x1  }
0xa5: {  	[sflag:s24] =	ssyncset.done $0x0  }
0xa6: {  	s25 =	simm.s32 $0x1B8E;
	[sflag:s24] =	ssyncadd.s32 $0xFFFFFFFF  }
0xa7: {  	s26 =	simm.s32 $execute0_lowered;
	[smem:$0x3FD2] =	sst s25  }
0xa8: {  	s6 =	sshll.u32 s26, $0x1;
	_ =	strace $0x80000046;
	[dreg:$0x1] =	wrdreg $0xFFFFFFFF  }
0xa9: {  	s28 =	simm.s32 $_size_execute0_lowered;
	s5 =	sadd.s32 s5, s6;
	[dreg:$0x0] =	wrdreg $0x0  }
0xaa: {  	s6 =	sshll.u32 s28, $0x1;
	[dreg:$0x2] =	wrdreg s5  }
0xab: {  	[dreg:$0x3] =	wrdreg s6  }
0xac: {  	[dreg:$0x4] =	wrdreg $0xC0  }
0xad: {  	_ =	task [dreg:s9], $0x5FFFF  }
0xae: {  	[dreg:$0x1] =	wrdreg $0xFFFFFFFF  }
0xaf: {  	[dreg:$0x0] =	wrdreg $0x60  }
0xb0: {  	[dreg:$0x2] =	wrdreg s2  }
0xb1: {  	[dreg:$0x3] =	wrdreg s19  }
0xb2: {  	[dreg:$0x4] =	wrdreg s4  }
0xb3: {  	[dreg:$0x5] =	wrdreg $0x0  }
0xb4: {  	[dreg:$0x6] =	wrdreg $0x2800  }
0xb5: {  	[dreg:$0x7] =	wrdreg $0x9  }
0xb6: {  	_ =	task.clear_ibuf [dreg:s9], $0x8FFFF;
	_ =	strace $0x90000046  }
0xb7: {  	s29 =	simm.s32 $0x9;
	_ =	strace $0x80000048  }
0xb8: {  	_ =	swait.ge [sflag:s29], $0x1  }
0xb9: {  	[sflag:s29] =	ssyncadd.s32 $0xFFFFFFFF  }
0xba: {  	_ =	strace $0x90000048  }
0xbb: {  	_ =	sfence  }
0xbc: {  	s30 =	sld [smem:$0x0];
	_ =	sdelay $0x2  }
0xbd: {  	s31 =	sshll.u32 s1, $0xD;
	s1 =	sshrl.u32 s1, $0x2  }
0xbe: {  	s3 =	sand.u32 $0x4000, s31;
	s1 =	sadd.s32 s1, s30  }
0xbf: {  	s0 =	sor.u32 s3, s0;
	s1 =	sshll.u32 s1, $0x11  }
0xc0: {  	s0 =	sor.u32 s1, s0  }
0xc1: {  	s0 =	sadd.s32 $0x8F2B, s0  }
0xc2: {  	[sflag:s0] =	ssyncadd.remote.s32 $0x1  }
0xc3: {  	_ =	sfence.sel $0xFFFF  }
0xc4: {  	[dreg:$0x0] =	wrdreg $0xFFFFFFFF;
	(pc) =	sbr.abs _section_cstart, $3  }
0xc5: {  	[dreg:$0x1] =	wrdreg $0xFFFFFFFF  }
0xc6: {  	_ =	task.clear_ibuf [dreg:s9], $0x2FFFF;
	_ =	strace $0x9FFFFFFF  }
0xc7: {  	(tm) =	ssettm $0x7FFFFFFF  }
tec
execute0_lowered:
.L_overlay_start_1:
0x0: {  	(tag) =	ssettag $0x1  }
0x1: {  	s0 =	rddreg [dreg:$0x0]  }
0x2: {  	s3 =	rddreg [dreg:$0x1]  }
0x3: {  	s7 =	rddreg [dreg:$0x2]  }
0x4: {  	s1 =	rddreg [dreg:$0x3]  }
0x5: {  	s2 =	rddreg [dreg:$0x4];
	s5 =	srdreg.scid;
	s4 =	simm.s32 $0x0  }
0x6: {  	s8 =	stileid.u32;
	s19 =	simm.s32 $0x5580;
	s22 =	simm.s32 $0x5880  }
0x7: {  	s23 =	simm.s32 $0x5980;
	s28 =	simm.s32 $0x5800;
	s29 =	simm.s32 $0x5900  }
0x8: {  	s30 =	simm.s32 $0x5A00;
	s31 =	simm.s32 $0x5500;
	s5 =	sand.u32 $0x1, s5  }
0x9: {  	[smem:$0x7FF] =	sst s4;
	s6 =	sshll.u32 s5, $0x4;
	s5 =	ssub.s32 $0x2, s5  }
0xa: {  	s6 =	sor.u32 s8, s6;
	s8 =	smul.u32 $0x280, s8;
	s9 =	sshrl.u32 s5, $0x1  }
0xb: {  	_ =	strace $0x80000047;
	s10 =	smul.u32 $0x500, s6;
	s9 =	ssub.s32 s5, s9  }
0xc: {  	s11 =	smul.u32 $0xA0, s6;
	s5 =	sadd.s32 s8, s1;
	s6 =	sadd.s32 s8, s2  }
0xd: {  	s26 =	smax.u32 s9, $0x1;
	s9 =	simm.s32 $0x5680;
	s0 =	sadd.s32 s0, s10  }
0xe: {  	s24 =	sadd.s32 s3, s10;
	s25 =	sadd.s32 s7, s11;
	[dreg:$0x9] =	wrdreg s26  }
0xf: {  	s11 =	sadd.s32 $0x80, s5;
	s12 =	sadd.s32 $0x100, s5;
	s13 =	sadd.s32 $0x180, s5  }
0x10: {  	s14 =	sadd.s32 $0x200, s5;
	s15 =	sadd.s32 $0x80, s6;
	s16 =	sadd.s32 $0x100, s6  }
0x11: {  	s17 =	sadd.s32 $0x180, s6;
	s18 =	sadd.s32 $0x200, s6;
	[dreg:$0x6] =	wrdreg s0  }
0x12: {  	s10 =	simm.s32 $0x5780;
	s26 =	simm.s32 $0x5700;
	[dreg:$0x7] =	wrdreg s24  }
0x13: {  	s3 =	simm.s32 $0x80;
	s7 =	simm.s32 $0x0;
	[dreg:$0x8] =	wrdreg s25  }
0x14: {  	v0 =	vimm.f32 $1.000000000e+00;
	v1 =	vimm.f32 $0.0e+00;
	s24 =	simm.s32 $0x2;
	s25 =	simm.s32 $0x5600;
	s0 =	simm.s32 $0x1  }
.LBB2_1:
0x15: {  	[tilespmem:$0x5500] =	vst v0  }
0x16: {  	[tilespmem:$0x5510] =	vst v0  }
0x17: {  	[tilespmem:$0x5520] =	vst v0  }
0x18: {  	[tilespmem:$0x5530] =	vst v0  }
0x19: {  	[tilespmem:$0x5540] =	vst v0  }
0x1a: {  	[tilespmem:$0x5550] =	vst v0  }
0x1b: {  	[tilespmem:$0x5560] =	vst v0  }
0x1c: {  	[tilespmem:$0x5570] =	vst v0  }
0x1d: {  	[tilespmem:$0x5580] =	vst v1  }
0x1e: {  	[tilespmem:$0x5600] =	vst v1  }
0x1f: {  	[tilespmem:$0x5590] =	vst v1  }
0x20: {  	[tilespmem:$0x5610] =	vst v1  }
0x21: {  	[tilespmem:$0x55A0] =	vst v1  }
0x22: {  	[tilespmem:$0x5620] =	vst v1  }
0x23: {  	[tilespmem:$0x55B0] =	vst v1  }
0x24: {  	[tilespmem:$0x5630] =	vst v1  }
0x25: {  	[tilespmem:$0x55C0] =	vst v1  }
0x26: {  	[tilespmem:$0x5640] =	vst v1  }
0x27: {  	[tilespmem:$0x55D0] =	vst v1  }
0x28: {  	[tilespmem:$0x5650] =	vst v1  }
0x29: {  	[tilespmem:$0x55E0] =	vst v1  }
0x2a: {  	[tilespmem:$0x5660] =	vst v1  }
0x2b: {  	[tilespmem:$0x55F0] =	vst v1  }
0x2c: {  	[tilespmem:$0x5670] =	vst v1  }
0x2d: {  	[tilespmem:$0x5680] =	vst v1  }
0x2e: {  	[tilespmem:$0x5700] =	vst v1  }
0x2f: {  	[tilespmem:$0x5690] =	vst v1  }
0x30: {  	[tilespmem:$0x5710] =	vst v1  }
0x31: {  	[tilespmem:$0x56A0] =	vst v1  }
0x32: {  	[tilespmem:$0x5720] =	vst v1  }
0x33: {  	[tilespmem:$0x56B0] =	vst v1  }
0x34: {  	[tilespmem:$0x5730] =	vst v1  }
0x35: {  	[tilespmem:$0x56C0] =	vst v1  }
0x36: {  	[tilespmem:$0x5740] =	vst v1  }
0x37: {  	[tilespmem:$0x56D0] =	vst v1  }
0x38: {  	[tilespmem:$0x5750] =	vst v1  }
0x39: {  	[tilespmem:$0x56E0] =	vst v1  }
0x3a: {  	[tilespmem:$0x5760] =	vst v1  }
0x3b: {  	[tilespmem:$0x56F0] =	vst v1  }
0x3c: {  	[tilespmem:$0x5770] =	vst v1  }
0x3d: {  	[tilespmem:$0x5780] =	vst v1  }
0x3e: {  	[tilespmem:$0x5800] =	vst v1  }
0x3f: {  	[tilespmem:$0x5790] =	vst v1  }
0x40: {  	[tilespmem:$0x5810] =	vst v1  }
0x41: {  	[tilespmem:$0x57A0] =	vst v1  }
0x42: {  	[tilespmem:$0x5820] =	vst v1  }
0x43: {  	[tilespmem:$0x57B0] =	vst v1  }
0x44: {  	[tilespmem:$0x5830] =	vst v1  }
0x45: {  	[tilespmem:$0x57C0] =	vst v1  }
0x46: {  	[tilespmem:$0x5840] =	vst v1  }
0x47: {  	[tilespmem:$0x57D0] =	vst v1  }
0x48: {  	[tilespmem:$0x5850] =	vst v1  }
0x49: {  	[tilespmem:$0x57E0] =	vst v1  }
0x4a: {  	[tilespmem:$0x5860] =	vst v1  }
0x4b: {  	[tilespmem:$0x57F0] =	vst v1  }
0x4c: {  	[tilespmem:$0x5870] =	vst v1  }
0x4d: {  	[tilespmem:$0x5880] =	vst v1  }
0x4e: {  	[tilespmem:$0x5900] =	vst v1  }
0x4f: {  	[tilespmem:$0x5890] =	vst v1  }
0x50: {  	[tilespmem:$0x5910] =	vst v1  }
0x51: {  	[tilespmem:$0x58A0] =	vst v1  }
0x52: {  	[tilespmem:$0x5920] =	vst v1  }
0x53: {  	[tilespmem:$0x58B0] =	vst v1  }
0x54: {  	[tilespmem:$0x5930] =	vst v1  }
0x55: {  	[tilespmem:$0x58C0] =	vst v1  }
0x56: {  	[tilespmem:$0x5940] =	vst v1  }
0x57: {  	[tilespmem:$0x58D0] =	vst v1  }
0x58: {  	[tilespmem:$0x5950] =	vst v1  }
0x59: {  	[tilespmem:$0x58E0] =	vst v1  }
0x5a: {  	[tilespmem:$0x5960] =	vst v1  }
0x5b: {  	[tilespmem:$0x58F0] =	vst v1  }
0x5c: {  	[tilespmem:$0x5970] =	vst v1  }
0x5d: {  	[tilespmem:$0x5980] =	vst v1  }
0x5e: {  	[tilespmem:$0x5A00] =	vst v1  }
0x5f: {  	[tilespmem:$0x5990] =	vst v1  }
0x60: {  	[tilespmem:$0x5A10] =	vst v1  }
0x61: {  	[tilespmem:$0x59A0] =	vst v1  }
0x62: {  	[tilespmem:$0x5A20] =	vst v1  }
0x63: {  	[tilespmem:$0x59B0] =	vst v1  }
0x64: {  	[tilespmem:$0x5A30] =	vst v1  }
0x65: {  	[tilespmem:$0x59C0] =	vst v1  }
0x66: {  	[tilespmem:$0x5A40] =	vst v1  }
0x67: {  	[tilespmem:$0x59D0] =	vst v1  }
0x68: {  	[tilespmem:$0x5A50] =	vst v1  }
0x69: {  	[tilespmem:$0x59E0] =	vst v1  }
0x6a: {  	[tilespmem:$0x5A60] =	vst v1  }
0x6b: {  	[tilespmem:$0x59F0] =	vst v1  }
0x6c: {  	[tilespmem:$0x5A70] =	vst v1  }
0x6d: {  	[spmem:s5] =	stream.linear.scatter [tilespmem:s19], [sflag:$0x2], $0x80, $0x38;
	[tilespmem:$0x5A80] =	vst v63  }
0x6e: {  	_ = 	snop  }
0x6f: {  	[spmem:s11] =	stream.linear.scatter [tilespmem:s9], [sflag:$0x2], $0x80, $0x38;
	[tilespmem:$0x5A80] =	vst v63  }
0x70: {  	_ = 	snop  }
0x71: {  	[spmem:s12] =	stream.linear.scatter [tilespmem:s10], [sflag:$0x2], $0x80, $0x38;
	[tilespmem:$0x5A80] =	vst v63  }
0x72: {  	_ = 	snop  }
0x73: {  	[spmem:s13] =	stream.linear.scatter [tilespmem:s22], [sflag:$0x2], $0x80, $0x38;
	[tilespmem:$0x5A80] =	vst v63  }
0x74: {  	_ = 	snop  }
0x75: {  	[spmem:s14] =	stream.linear.scatter [tilespmem:s23], [sflag:$0x2], $0x80, $0x38;
	[tilespmem:$0x5A80] =	vst v63  }
0x76: {  	_ =	swait.ge [sflag:s24], $0x280  }
0x77: {  	[sflag:s24] =	ssyncset.done $0x0  }
0x78: {  	[sflag:s24] =	ssyncadd.s32 $0xFFFFFD80  }
0x79: {  	[spmem:s6] =	stream.linear.scatter [tilespmem:s25], [sflag:$0x2], $0x80, $0x38;
	[tilespmem:$0x5A80] =	vst v63  }
0x7a: {  	_ = 	snop  }
0x7b: {  	[spmem:s15] =	stream.linear.scatter [tilespmem:s26], [sflag:$0x2], $0x80, $0x38;
	[tilespmem:$0x5A80] =	vst v63  }
0x7c: {  	_ = 	snop  }
0x7d: {  	[spmem:s16] =	stream.linear.scatter [tilespmem:s28], [sflag:$0x2], $0x80, $0x38;
	[tilespmem:$0x5A80] =	vst v63  }
0x7e: {  	_ = 	snop  }
0x7f: {  	[spmem:s17] =	stream.linear.scatter [tilespmem:s29], [sflag:$0x2], $0x80, $0x38;
	[tilespmem:$0x5A80] =	vst v63  }
0x80: {  	_ = 	snop  }
0x81: {  	[spmem:s18] =	stream.linear.scatter [tilespmem:s30], [sflag:$0x2], $0x80, $0x38;
	[tilespmem:$0x5A80] =	vst v63  }
0x82: {  	_ =	swait.ge [sflag:s24], $0x280  }
0x83: {  	[sflag:s24] =	ssyncset.done $0x0  }
0x84: {  	[sflag:s24] =	ssyncadd.s32 $0xFFFFFD80  }
0x85: {  	[bflag:$0x0] =	sbarrier.arrive $0xFFFF  }
0x86: {  	s10 =	simm.s32 $0x500;
	s8 =	rddreg [dreg:$0x6]  }
0x87: {  	[tilespmem:s10], [sflag:$0x2] =	stream.linear.gather [hbm4b:s8+s4], $0x2800, $0x38;
	[tilespmem:$0x5A80] =	vst v63  }
0x88: {  	_ =	swait.ge [sflag:s24], $0x2800  }
0x89: {  	[sflag:s24] =	ssyncset.done $0x0  }
0x8a: {  	s21 =	simm.s32 $0x2D00;
	s20 =	rddreg [dreg:$0x7];
	[sflag:s24] =	ssyncadd.s32 $0xFFFFD800  }
0x8b: {  	[tilespmem:s21], [sflag:$0x2] =	stream.linear.gather [hbm4b:s20+s4], $0x2800, $0x38;
	[tilespmem:$0x5A80] =	vst v63  }
0x8c: {  	_ =	swait.ge [sflag:s24], $0x2800  }
0x8d: {  	[sflag:s24] =	ssyncset.done $0x0  }
0x8e: {  	s9 =	simm.s32 $0x500;
	[sflag:s24] =	ssyncadd.s32 $0xFFFFD800  }
0x8f: {  	[spmem:s1] =	stream.indirect.scatter.add.f32 [tilespmem:s31], [sflag:$0x1], $0x1, s9, s3, $0xb8;
	[tilespmem:$0x5A80] =	vst v63  }
0x90: {  	s10 =	simm.s32 $0x2D00  }
0x91: {  	[spmem:s2] =	stream.indirect.scatter.add.f32 [tilespmem:s31], [sflag:$0x1], $0x1, s10, s3, $0xb8;
	[tilespmem:$0x5A80] =	vst v63  }
0x92: {  	s20 =	simm.s32 $0x580  }
0x93: {  	[spmem:s1] =	stream.indirect.scatter.add.f32 [tilespmem:s31], [sflag:$0x1], $0x1, s20, s3, $0xb8;
	[tilespmem:$0x5A80] =	vst v63  }
0x94: {  	s21 =	simm.s32 $0x2D80  }
0x95: {  	[spmem:s2] =	stream.indirect.scatter.add.f32 [tilespmem:s31], [sflag:$0x1], $0x1, s21, s3, $0xb8;
	[tilespmem:$0x5A80] =	vst v63  }
0x96: {  	_ =	swait.ge [sflag:s0], $0x80  }
0x97: {  	[sflag:s0] =	ssyncset.done $0x0  }
0x98: {  	[sflag:s0] =	ssyncadd.s32 $0xFFFFFF80  }
0x99: {  	_ =	swait.ge [sflag:s0], $0x80  }
0x9a: {  	[sflag:s0] =	ssyncset.done $0x0  }
0x9b: {  	[sflag:s0] =	ssyncadd.s32 $0xFFFFFF80  }
0x9c: {  	_ =	swait.ge [sflag:s0], $0x80  }
0x9d: {  	[sflag:s0] =	ssyncset.done $0x0  }
0x9e: {  	[sflag:s0] =	ssyncadd.s32 $0xFFFFFF80  }
0x9f: {  	_ =	swait.ge [sflag:s0], $0x80  }
0xa0: {  	s8 =	simm.s32 $0x100;
	s9 =	simm.s32 $0x800;
	[sflag:s0] =	ssyncset.done $0x0  }
.LBB2_2:
0xa1: {  	s10 =	sadd.s32 $0x500, s8  }
0xa2: {  	[sflag:s0] =	ssyncadd.s32 $0xFFFFFF80;
	s20 =	smov.u32 s9;
	s21 =	sadd.s32 $0x400, s9  }
0xa3: {  	[spmem:s1] =	stream.indirect.scatter.add.f32 [tilespmem:s31], [sflag:$0x1], $0x1, s10, s3, $0xb8;
	[tilespmem:$0x5A80] =	vst v63  }
0xa4: {  	p0 =	sne.s32 s9, $0x9C00;
	s9 =	sadd.s32 $0x2D00, s8  }
0xa5: {  	[spmem:s2] =	stream.indirect.scatter.add.f32 [tilespmem:s31], [sflag:$0x1], $0x1, s9, s3, $0xb8;
	[tilespmem:$0x5A80] =	vst v63  }
0xa6: {  	s9 =	sadd.s32 $0x580, s8  }
0xa7: {  	[spmem:s1] =	stream.indirect.scatter.add.f32 [tilespmem:s31], [sflag:$0x1], $0x1, s9, s3, $0xb8;
	[tilespmem:$0x5A80] =	vst v63  }
0xa8: {  	s8 =	sadd.s32 $0x2D80, s8  }
0xa9: {  	[spmem:s2] =	stream.indirect.scatter.add.f32 [tilespmem:s31], [sflag:$0x1], $0x1, s8, s3, $0xb8;
	[tilespmem:$0x5A80] =	vst v63  }
0xaa: {  	_ =	swait.ge [sflag:s0], $0x80  }
0xab: {  	[sflag:s0] =	ssyncset.done $0x0  }
0xac: {  	[sflag:s0] =	ssyncadd.s32 $0xFFFFFF80  }
0xad: {  	_ =	swait.ge [sflag:s0], $0x80  }
0xae: {  	[sflag:s0] =	ssyncset.done $0x0  }
0xaf: {  	[sflag:s0] =	ssyncadd.s32 $0xFFFFFF80  }
.Ltmp0:
0xb0: {  	_ =	swait.ge [sflag:s0], $0x80;
	(pc) =	sbr.rel @p0 .LBB2_2-.Ltmp0, $4  }
0xb1: {  	[sflag:s0] =	ssyncset.done $0x0  }
0xb2: {  	[sflag:s0] =	ssyncadd.s32 $0xFFFFFF80  }
0xb3: {  	_ =	swait.ge [sflag:s0], $0x80  }
0xb4: {  	s9 =	smov.u32 s21;
	s8 =	sshra.s32 s20, $0x2;
	[sflag:s0] =	ssyncset.done $0x0  }
0xb5: {  	s9 =	sadd.s32 $0x500, s8;
	[sflag:s0] =	ssyncadd.s32 $0xFFFFFF80  }
0xb6: {  	[spmem:s1] =	stream.indirect.scatter.add.f32 [tilespmem:s31], [sflag:$0x1], $0x1, s9, s3, $0xb8;
	[tilespmem:$0x5A80] =	vst v63  }
0xb7: {  	s20 =	sadd.s32 $0x2D00, s8  }
0xb8: {  	[spmem:s2] =	stream.indirect.scatter.add.f32 [tilespmem:s31], [sflag:$0x1], $0x1, s20, s3, $0xb8;
	[tilespmem:$0x5A80] =	vst v63  }
0xb9: {  	s21 =	sadd.s32 $0x580, s8  }
0xba: {  	[spmem:s1] =	stream.indirect.scatter.add.f32 [tilespmem:s31], [sflag:$0x1], $0x1, s21, s3, $0xb8;
	[tilespmem:$0x5A80] =	vst v63  }
0xbb: {  	s10 =	sadd.s32 $0x2D80, s8  }
0xbc: {  	[spmem:s2] =	stream.indirect.scatter.add.f32 [tilespmem:s31], [sflag:$0x1], $0x1, s10, s3, $0xb8;
	[tilespmem:$0x5A80] =	vst v63  }
0xbd: {  	_ =	swait.ge [sflag:s0], $0x80  }
0xbe: {  	[sflag:s0] =	ssyncset.done $0x0  }
0xbf: {  	[sflag:s0] =	ssyncadd.s32 $0xFFFFFF80  }
0xc0: {  	_ =	swait.ge [sflag:s0], $0x80  }
0xc1: {  	[sflag:s0] =	ssyncset.done $0x0  }
0xc2: {  	[sflag:s0] =	ssyncadd.s32 $0xFFFFFF80  }
0xc3: {  	_ =	swait.ge [sflag:s0], $0x80  }
0xc4: {  	[sflag:s0] =	ssyncset.done $0x0  }
0xc5: {  	[sflag:s0] =	ssyncadd.s32 $0xFFFFFF80  }
0xc6: {  	_ =	swait.ge [sflag:s0], $0x80  }
0xc7: {  	[sflag:s0] =	ssyncset.done $0x0  }
0xc8: {  	[sflag:s0] =	ssyncadd.s32 $0xFFFFFF80  }
0xc9: {  	[bflag:$0x0] =	sbarrier.arrive $0xFFFF  }
0xca: {  	[tilespmem:s19], [sflag:$0x2] =	stream.linear.gather [spmem:s5], $0x80, $0x38;
	[tilespmem:$0x5A80] =	vst v63  }
0xcb: {  	s9 =	simm.s32 $0x5680  }
0xcc: {  	[tilespmem:s9], [sflag:$0x2] =	stream.linear.gather [spmem:s11], $0x80, $0x38;
	[tilespmem:$0x5A80] =	vst v63  }
0xcd: {  	s10 =	simm.s32 $0x5780  }
0xce: {  	[tilespmem:s10], [sflag:$0x2] =	stream.linear.gather [spmem:s12], $0x80, $0x38;
	[tilespmem:$0x5A80] =	vst v63  }
0xcf: {  	_ = 	snop  }
0xd0: {  	[tilespmem:s22], [sflag:$0x2] =	stream.linear.gather [spmem:s13], $0x80, $0x38;
	[tilespmem:$0x5A80] =	vst v63  }
0xd1: {  	_ = 	snop  }
0xd2: {  	[tilespmem:s23], [sflag:$0x2] =	stream.linear.gather [spmem:s14], $0x80, $0x38;
	[tilespmem:$0x5A80] =	vst v63  }
0xd3: {  	_ =	swait.ge [sflag:s24], $0x280  }
0xd4: {  	[sflag:s24] =	ssyncset.done $0x0  }
0xd5: {  	[sflag:s24] =	ssyncadd.s32 $0xFFFFFD80  }
0xd6: {  	[tilespmem:s25], [sflag:$0x2] =	stream.linear.gather [spmem:s6], $0x80, $0x38;
	[tilespmem:$0x5A80] =	vst v63  }
0xd7: {  	_ = 	snop  }
0xd8: {  	[tilespmem:s26], [sflag:$0x2] =	stream.linear.gather [spmem:s15], $0x80, $0x38;
	[tilespmem:$0x5A80] =	vst v63  }
0xd9: {  	_ = 	snop  }
0xda: {  	[tilespmem:s28], [sflag:$0x2] =	stream.linear.gather [spmem:s16], $0x80, $0x38;
	[tilespmem:$0x5A80] =	vst v63  }
0xdb: {  	_ = 	snop  }
0xdc: {  	[tilespmem:s29], [sflag:$0x2] =	stream.linear.gather [spmem:s17], $0x80, $0x38;
	[tilespmem:$0x5A80] =	vst v63  }
0xdd: {  	_ = 	snop  }
0xde: {  	[tilespmem:s30], [sflag:$0x2] =	stream.linear.gather [spmem:s18], $0x80, $0x38;
	[tilespmem:$0x5A80] =	vst v63  }
0xdf: {  	_ =	swait.ge [sflag:s24], $0x280  }
0xe0: {  	[sflag:s24] =	ssyncset.done $0x0  }
0xe1: {  	s20 =	rddreg [dreg:$0x8];
	[sflag:s24] =	ssyncadd.s32 $0xFFFFFD80  }
0xe2: {  	[hbm4b:s20+s4] =	stream.linear.scatter [tilespmem:s19], [sflag:$0x2], $0x500, $0x38;
	[tilespmem:$0x5A80] =	vst v63  }
0xe3: {  	_ =	swait.ge [sflag:s24], $0x500  }
0xe4: {  	s7 =	sadd.s32 $0x1, s7;
	s21 =	rddreg [dreg:$0x9]  }
0xe5: {  	p0 =	sne.s32 s7, s21  }
.Ltmp1:
0xe6: {  	_ = 	snop;
	(pc) =	sbr.rel @p0 .LBB2_1-.Ltmp1, $3  }
0xe7: {  	_ =	sdelay $0x1  }
0xe8: {  	[sflag:s24] =	ssyncset.done $0x0  }
0xe9: {  	[sflag:s24] =	ssyncadd.s32 $0xFFFFFB00  }
0xea: {  	_ =	sfence.sel $0x180000  }
0xeb: {  	[bflag:$0x0] =	sbarrier.arrive $0xFFFF  }
0xec: {  	_ =	strace $0x90000047  }
0xed: {  	s0 =	stileid.u32;
	[bflag:$0x2] =	sbarrier.arrive $0xFFFF  }
0xee: {  	p0 =	sne.s32 s0, $0x0;
	s0 =	rddreg [dreg:$0x5]  }
0xef: {  	s0 =	sadd.s32 @!p0 $0x100000, s0  }
0xf0: {  	[sflag:s0] =	ssyncadd.tile.s32 @!p0 $0x1;
	_ =	shalt  }
.Lfunc_end2:
_tile_overlayer_lowered:
.L_overlay_start_2:
0xf1: {  	(tag) =	ssettag $0x2  }
0xf2: {  	s0 =	rddreg [dreg:$0x0];
	s2 =	stileid.u32  }
0xf3: {  	s1 =	rddreg [dreg:$0x1];
	p0 =	sne.s32 s2, $0x0  }
0xf4: {  	s3 =	rddreg [dreg:$0x2];
	[bflag:$0x3] =	sbarrier.arrive $0xFFFF;
	s2 =	simm.s32 @!p0 $0x1C02  }
0xf5: {  	[timem:s3], [sflag:s2] =	dma.local @!p0 [hbm:s0], s1  }
0xf6: {  	s0 =	simm.s32 @!p0 $0x2  }
0xf7: {  	_ =	swait.ge @!p0 [sflag:s0], s1  }
0xf8: {  	s1 =	ssub.s32 @!p0 $0x0, s1;
	[sflag:s0] =	ssyncset.done @!p0 $0x0  }
0xf9: {  	[sflag:s0] =	ssyncadd.s32 @!p0 s1  }
0xfa: {  	[bflag:$0x3] =	sbarrier.arrive $0xFFFF  }
0xfb: {  	_ =	shalt  }

</sc_bundles>
